<compile_context>
chip_gen: v7x
topology: tpu7x:2x2x1
jax: 0.10.2.dev20260603
libtpu: 0.0.44.dev20260713+nightly
codegen_flags: <defaults>
</compile_context>

<pallas_src>
import functools

import jax
import jax.numpy as jnp
from jax import lax
from jax.experimental import pallas as pl
from jax.experimental.pallas import tpu as pltpu
from jax.experimental.pallas import tpu_sc as plsc

D_MODEL = 1024
BATCH = 4
SEQ_LEN = 4096
B_TOTAL = BATCH * SEQ_LEN

_INFO = plsc.get_sparse_core_info()
NC = _INFO.num_cores
NS = _INFO.num_subcores
NW = NC * NS
B_PER_W = B_TOTAL // NW
W_PER_ROW = SEQ_LEN // B_PER_W
CHUNK = 16
N_CHUNKS = B_PER_W // CHUNK
DEPTH = 6
_STEADY_ITERS = (N_CHUNKS - DEPTH) // DEPTH
_LEFTOVER_START = DEPTH + _STEADY_ITERS * DEPTH

_MESH = plsc.VectorSubcoreMesh(core_axis_name="c", subcore_axis_name="s")


@functools.partial(
    pl.kernel,
    mesh=_MESH,
    out_type=jax.ShapeDtypeStruct((BATCH, SEQ_LEN, D_MODEL), jnp.float32),
    scratch_types=(
        [pltpu.VMEM((B_PER_W,), jnp.int32)]
        + [pltpu.VMEM((CHUNK, D_MODEL), jnp.float32)] * DEPTH
        + [pltpu.SemaphoreType.DMA] * (2 * DEPTH)
    ),
)
def _sc_gather(idx_hbm, table_hbm, out_hbm, idx_v, *rest):
    bufs = rest[:DEPTH]
    gsems = rest[DEPTH:2 * DEPTH]
    ssems = rest[2 * DEPTH:]
    wid = lax.axis_index("s") * NC + lax.axis_index("c")
    row = wid // W_PER_ROW
    col = (wid % W_PER_ROW) * B_PER_W
    pltpu.sync_copy(idx_hbm.at[row, pl.ds(col, B_PER_W)], idx_v)

    def start_gather(j, b):
        pltpu.async_copy(
            table_hbm.at[idx_v.at[pl.ds(j * CHUNK, CHUNK)]],
            bufs[b], gsems[b])

    def wait_gather(b):
        pltpu.make_async_copy(
            table_hbm.at[pl.ds(0, CHUNK)], bufs[b], gsems[b]).wait()

    def start_scatter(j, b):
        pltpu.async_copy(
            bufs[b], out_hbm.at[row, pl.ds(col + j * CHUNK, CHUNK)], ssems[b])

    def wait_scatter(j, b):
        pltpu.make_async_copy(
            bufs[b], out_hbm.at[row, pl.ds(col + j * CHUNK, CHUNK)],
            ssems[b]).wait()

    for j in range(DEPTH):
        start_gather(j, j)
    wait_gather(0)
    start_scatter(0, 0)

    def step(j, b):
        wait_scatter(j - DEPTH, b)
        start_gather(j, b)
        bp = (b + 1) % DEPTH
        wait_gather(bp)
        start_scatter(j - (DEPTH - 1), bp)

    @pl.loop(1, 1 + _STEADY_ITERS)
    def _steady(g):
        for b in range(DEPTH):
            step(g * DEPTH + b, b)

    for j in range(_LEFTOVER_START, N_CHUNKS):
        step(j, j % DEPTH)

    for j in range(N_CHUNKS - DEPTH + 1, N_CHUNKS):
        b = j % DEPTH
        wait_gather(b)
        start_scatter(j, b)
    for j in range(N_CHUNKS - DEPTH, N_CHUNKS):
        wait_scatter(j, j % DEPTH)


def kernel(x, table):
    return _sc_gather(x.astype(jnp.int32), table)

# --- scband reference (transcript-rebuilt; emitter-appended) ---
"""Pipeline reference for scband-embedding-layer-1468878815523 (READ-ONLY COPY).

The authoritative reference and input builder live on the scoring server;
editing this copy changes nothing except your own understanding.
"""

import jax, jax.numpy as jnp
import numpy as np

VOCAB_SIZE = 100000
D_MODEL = 1024
BATCH = 4
SEQ_LEN = 4096


def setup_inputs(seed: int = 0) -> dict:
    key = jax.random.key(seed)
    k_idx, k_tab = jax.random.split(key)
    x = jax.random.randint(k_idx, (BATCH, SEQ_LEN), 0, VOCAB_SIZE, dtype=jnp.int64 if jax.config.jax_enable_x64 else jnp.int32)
    # nn.Embedding default init: N(0, 1)
    table = jax.random.normal(k_tab, (VOCAB_SIZE, D_MODEL), dtype=jnp.float32)
    return {"x": x, "table": table}


def reference(x, table):
    # EmbeddingLayer.forward: embeddings = self.embedding_layer(x)
    embeddings = jnp.take(table, x, axis=0)
    return embeddings

if __name__ == "__main__":
    import jax
    _d = setup_inputs()
    print(jax.jit(kernel)(*tuple(_d.values())))

</pallas_src>

<mosaic_0001>
#map = affine_map<(d0, d1) -> (0, 0)>
#map1 = affine_map<(d0, d1) -> (0, 0, 0)>
module attributes {stable_mosaic.version = 14 : i64} {
  func.func @_sc_gather(%arg0: i32, %arg1: i32, %arg2: memref<4x4096xi32, #tpu.memory_space<hbm>>, %arg3: memref<100000x1024xf32, #tpu.memory_space<hbm>>, %arg4: memref<4x4096x1024xf32, #tpu.memory_space<hbm>>, %arg5: memref<512xi32, #tpu.memory_space<vmem>>, %arg6: memref<16x1024xf32, #tpu.memory_space<vmem>>, %arg7: memref<16x1024xf32, #tpu.memory_space<vmem>>, %arg8: memref<16x1024xf32, #tpu.memory_space<vmem>>, %arg9: memref<16x1024xf32, #tpu.memory_space<vmem>>, %arg10: memref<16x1024xf32, #tpu.memory_space<vmem>>, %arg11: memref<16x1024xf32, #tpu.memory_space<vmem>>, %arg12: memref<!tpu.dma_semaphore, #tpu.memory_space<semaphore_mem>>, %arg13: memref<!tpu.dma_semaphore, #tpu.memory_space<semaphore_mem>>, %arg14: memref<!tpu.dma_semaphore, #tpu.memory_space<semaphore_mem>>, %arg15: memref<!tpu.dma_semaphore, #tpu.memory_space<semaphore_mem>>, %arg16: memref<!tpu.dma_semaphore, #tpu.memory_space<semaphore_mem>>, %arg17: memref<!tpu.dma_semaphore, #tpu.memory_space<semaphore_mem>>, %arg18: memref<!tpu.dma_semaphore, #tpu.memory_space<semaphore_mem>>, %arg19: memref<!tpu.dma_semaphore, #tpu.memory_space<semaphore_mem>>, %arg20: memref<!tpu.dma_semaphore, #tpu.memory_space<semaphore_mem>>, %arg21: memref<!tpu.dma_semaphore, #tpu.memory_space<semaphore_mem>>, %arg22: memref<!tpu.dma_semaphore, #tpu.memory_space<semaphore_mem>>, %arg23: memref<!tpu.dma_semaphore, #tpu.memory_space<semaphore_mem>>) attributes {dimension_semantics = [#tpu.dimension_semantics<core_parallel>, #tpu.dimension_semantics<subcore_parallel>], iteration_bounds = array<i64: 2, 16>, scalar_prefetch = 0 : i64, scratch_operands = 19 : i64, tpu.core_type = #tpu.core_type<sc_vector_subcore>, window_params = [{transform_indices = #map}, {transform_indices = #map}, {transform_indices = #map1}]} {
    %mul3A = arith.constant 2 : i32
    %mul3A_0 = arith.muli %arg1, %mul3A : i32
    %add3A = arith.addi %mul3A_0, %arg0 : i32
    %jit3A = arith.constant 8 : i32
    %div3A = arith.divsi %add3A, %jit3A : i32
    %sign3A = arith.constant 0 : i32
    %sign3A_1 = arith.cmpi sgt, %add3A, %sign3A : i32
    %sign3A_2 = arith.extui %sign3A_1 : i1 to i32
    %sign3A_3 = arith.constant 0 : i32
    %sign3A_4 = arith.cmpi slt, %add3A, %sign3A_3 : i32
    %sign3A_5 = arith.extui %sign3A_4 : i1 to i32
    %sign3A_6 = arith.subi %sign3A_2, %sign3A_5 : i32
    %sign3A_7 = arith.constant 0 : i32
    %sign3A_8 = arith.cmpi sgt, %jit3A, %sign3A_7 : i32
    %sign3A_9 = arith.extui %sign3A_8 : i1 to i32
    %sign3A_10 = arith.constant 0 : i32
    %sign3A_11 = arith.cmpi slt, %jit3A, %sign3A_10 : i32
    %sign3A_12 = arith.extui %sign3A_11 : i1 to i32
    %sign3A_13 = arith.subi %sign3A_9, %sign3A_12 : i32
    %ne3A = arith.cmpi ne, %sign3A_6, %sign3A_13 : i32
    %rem3A = arith.remsi %add3A, %jit3A : i32
    %ne3A_14 = arith.constant 0 : i32
    %ne3A_15 = arith.cmpi ne, %rem3A, %ne3A_14 : i32
    %and3A = arith.andi %ne3A, %ne3A_15 : i1
    %sub3A = arith.constant 1 : i32
    %sub3A_16 = arith.subi %div3A, %sub3A : i32
    %select_n3A = arith.select %and3A, %sub3A_16, %div3A : i32
    %jit3A_17 = arith.constant 8 : i32
    %eq3A = arith.constant 0 : i32
    %eq3A_18 = arith.cmpi eq, %jit3A_17, %eq3A : i32
    %jit3A_19 = arith.constant 1 : i32
    %select_n3A_20 = arith.select %eq3A_18, %jit3A_19, %jit3A_17 : i32
    %rem3A_21 = arith.remsi %add3A, %select_n3A_20 : i32
    %ne3A_22 = arith.constant 0 : i32
    %ne3A_23 = arith.cmpi ne, %rem3A_21, %ne3A_22 : i32
    %lt3A = arith.constant 0 : i32
    %lt3A_24 = arith.cmpi slt, %rem3A_21, %lt3A : i32
    %lt3A_25 = arith.constant 0 : i32
    %lt3A_26 = arith.cmpi slt, %select_n3A_20, %lt3A_25 : i32
    %ne3A_27 = arith.xori %lt3A_24, %lt3A_26 : i1
    %and3A_28 = arith.andi %ne3A_27, %ne3A_23 : i1
    %add3A_29 = arith.addi %rem3A_21, %select_n3A_20 : i32
    %select_n3A_30 = arith.select %and3A_28, %add3A_29, %rem3A_21 : i32
    %mul3A_31 = arith.constant 512 : i32
    %mul3A_32 = arith.muli %select_n3A_30, %mul3A_31 : i32
    "tpu.region"() ({
      %run_scoped3A = tpu.sem_alloc : memref<!tpu.dma_semaphore, #tpu.memory_space<semaphore_mem>>
      %dma_start3A_251 = tpu.memref_slice %arg2[%select_n3A, %mul3A_32] : memref<4x4096xi32, #tpu.memory_space<hbm>> -> memref<1x512xi32, #tpu.memory_space<hbm>>
      %dma_start3A_252 = tpu.memref_squeeze %dma_start3A_251 : memref<1x512xi32, #tpu.memory_space<hbm>> -> memref<512xi32, #tpu.memory_space<hbm>>
      %dma_start3A_253 = tpu.memref_slice %arg2[%select_n3A, %mul3A_32] : memref<4x4096xi32, #tpu.memory_space<hbm>> -> memref<1x512xi32, #tpu.memory_space<hbm>>
      %dma_start3A_254 = tpu.memref_squeeze %dma_start3A_253 : memref<1x512xi32, #tpu.memory_space<hbm>> -> memref<512xi32, #tpu.memory_space<hbm>>
      tpu.enqueue_dma source(%dma_start3A_254 : memref<512xi32, #tpu.memory_space<hbm>>) target(%arg5 : memref<512xi32, #tpu.memory_space<vmem>>) target_semaphore(%run_scoped3A : memref<!tpu.dma_semaphore, #tpu.memory_space<semaphore_mem>>)
      %dma_wait3A_255 = tpu.memref_slice %arg2[%select_n3A, %mul3A_32] : memref<4x4096xi32, #tpu.memory_space<hbm>> -> memref<1x512xi32, #tpu.memory_space<hbm>>
      %dma_wait3A_256 = tpu.memref_squeeze %dma_wait3A_255 : memref<1x512xi32, #tpu.memory_space<hbm>> -> memref<512xi32, #tpu.memory_space<hbm>>
      %dma_wait3A_257 = tpu.memref_slice %arg2[%select_n3A, %mul3A_32] : memref<4x4096xi32, #tpu.memory_space<hbm>> -> memref<1x512xi32, #tpu.memory_space<hbm>>
      %dma_wait3A_258 = tpu.memref_squeeze %dma_wait3A_257 : memref<1x512xi32, #tpu.memory_space<hbm>> -> memref<512xi32, #tpu.memory_space<hbm>>
      tpu.wait_dma2 semaphore(%run_scoped3A : memref<!tpu.dma_semaphore, #tpu.memory_space<semaphore_mem>>) src(%dma_wait3A_258 : memref<512xi32, #tpu.memory_space<hbm>>) dst(%arg5 : memref<512xi32, #tpu.memory_space<vmem>>)
      tpu.yield
    }) : () -> ()
    %dma_start3A = arith.constant 0 : i32
    %dma_start3A_33 = tpu.memref_slice %arg5[%dma_start3A] : memref<512xi32, #tpu.memory_space<vmem>> -> memref<16xi32, #tpu.memory_space<vmem>>
    %dma_start3A_34 = arith.constant 0 : i32
    %dma_start3A_35 = arith.constant 0 : i32
    %dma_start3A_36 = tpu.memref_slice %arg3[%dma_start3A_34, %dma_start3A_35] : memref<100000x1024xf32, #tpu.memory_space<hbm>> -> memref<100000x1024xf32, #tpu.memory_space<hbm>>
    tpu.enqueue_indirect_dma source(%dma_start3A_36 : memref<100000x1024xf32, #tpu.memory_space<hbm>>) target(%arg6 : memref<16x1024xf32, #tpu.memory_space<vmem>>) offsets(%dma_start3A_33 : memref<16xi32, #tpu.memory_space<vmem>>) semaphore(%arg12 : memref<!tpu.dma_semaphore, #tpu.memory_space<semaphore_mem>>)
    %dma_start3A_37 = arith.constant 16 : i32
    %dma_start3A_38 = tpu.memref_slice %arg5[%dma_start3A_37] : memref<512xi32, #tpu.memory_space<vmem>> -> memref<16xi32, #tpu.memory_space<vmem>>
    %dma_start3A_39 = arith.constant 0 : i32
    %dma_start3A_40 = arith.constant 0 : i32
    %dma_start3A_41 = tpu.memref_slice %arg3[%dma_start3A_39, %dma_start3A_40] : memref<100000x1024xf32, #tpu.memory_space<hbm>> -> memref<100000x1024xf32, #tpu.memory_space<hbm>>
    tpu.enqueue_indirect_dma source(%dma_start3A_41 : memref<100000x1024xf32, #tpu.memory_space<hbm>>) target(%arg7 : memref<16x1024xf32, #tpu.memory_space<vmem>>) offsets(%dma_start3A_38 : memref<16xi32, #tpu.memory_space<vmem>>) semaphore(%arg13 : memref<!tpu.dma_semaphore, #tpu.memory_space<semaphore_mem>>)
    %dma_start3A_42 = arith.constant 32 : i32
    %dma_start3A_43 = tpu.memref_slice %arg5[%dma_start3A_42] : memref<512xi32, #tpu.memory_space<vmem>> -> memref<16xi32, #tpu.memory_space<vmem>>
    %dma_start3A_44 = arith.constant 0 : i32
    %dma_start3A_45 = arith.constant 0 : i32
    %dma_start3A_46 = tpu.memref_slice %arg3[%dma_start3A_44, %dma_start3A_45] : memref<100000x1024xf32, #tpu.memory_space<hbm>> -> memref<100000x1024xf32, #tpu.memory_space<hbm>>
    tpu.enqueue_indirect_dma source(%dma_start3A_46 : memref<100000x1024xf32, #tpu.memory_space<hbm>>) target(%arg8 : memref<16x1024xf32, #tpu.memory_space<vmem>>) offsets(%dma_start3A_43 : memref<16xi32, #tpu.memory_space<vmem>>) semaphore(%arg14 : memref<!tpu.dma_semaphore, #tpu.memory_space<semaphore_mem>>)
    %dma_start3A_47 = arith.constant 48 : i32
    %dma_start3A_48 = tpu.memref_slice %arg5[%dma_start3A_47] : memref<512xi32, #tpu.memory_space<vmem>> -> memref<16xi32, #tpu.memory_space<vmem>>
    %dma_start3A_49 = arith.constant 0 : i32
    %dma_start3A_50 = arith.constant 0 : i32
    %dma_start3A_51 = tpu.memref_slice %arg3[%dma_start3A_49, %dma_start3A_50] : memref<100000x1024xf32, #tpu.memory_space<hbm>> -> memref<100000x1024xf32, #tpu.memory_space<hbm>>
    tpu.enqueue_indirect_dma source(%dma_start3A_51 : memref<100000x1024xf32, #tpu.memory_space<hbm>>) target(%arg9 : memref<16x1024xf32, #tpu.memory_space<vmem>>) offsets(%dma_start3A_48 : memref<16xi32, #tpu.memory_space<vmem>>) semaphore(%arg15 : memref<!tpu.dma_semaphore, #tpu.memory_space<semaphore_mem>>)
    %dma_start3A_52 = arith.constant 64 : i32
    %dma_start3A_53 = tpu.memref_slice %arg5[%dma_start3A_52] : memref<512xi32, #tpu.memory_space<vmem>> -> memref<16xi32, #tpu.memory_space<vmem>>
    %dma_start3A_54 = arith.constant 0 : i32
    %dma_start3A_55 = arith.constant 0 : i32
    %dma_start3A_56 = tpu.memref_slice %arg3[%dma_start3A_54, %dma_start3A_55] : memref<100000x1024xf32, #tpu.memory_space<hbm>> -> memref<100000x1024xf32, #tpu.memory_space<hbm>>
    tpu.enqueue_indirect_dma source(%dma_start3A_56 : memref<100000x1024xf32, #tpu.memory_space<hbm>>) target(%arg10 : memref<16x1024xf32, #tpu.memory_space<vmem>>) offsets(%dma_start3A_53 : memref<16xi32, #tpu.memory_space<vmem>>) semaphore(%arg16 : memref<!tpu.dma_semaphore, #tpu.memory_space<semaphore_mem>>)
    %dma_start3A_57 = arith.constant 80 : i32
    %dma_start3A_58 = tpu.memref_slice %arg5[%dma_start3A_57] : memref<512xi32, #tpu.memory_space<vmem>> -> memref<16xi32, #tpu.memory_space<vmem>>
    %dma_start3A_59 = arith.constant 0 : i32
    %dma_start3A_60 = arith.constant 0 : i32
    %dma_start3A_61 = tpu.memref_slice %arg3[%dma_start3A_59, %dma_start3A_60] : memref<100000x1024xf32, #tpu.memory_space<hbm>> -> memref<100000x1024xf32, #tpu.memory_space<hbm>>
    tpu.enqueue_indirect_dma source(%dma_start3A_61 : memref<100000x1024xf32, #tpu.memory_space<hbm>>) target(%arg11 : memref<16x1024xf32, #tpu.memory_space<vmem>>) offsets(%dma_start3A_58 : memref<16xi32, #tpu.memory_space<vmem>>) semaphore(%arg17 : memref<!tpu.dma_semaphore, #tpu.memory_space<semaphore_mem>>)
    %dma_wait3A = arith.constant 0 : i32
    %dma_wait3A_62 = arith.constant 0 : i32
    %dma_wait3A_63 = tpu.memref_slice %arg3[%dma_wait3A, %dma_wait3A_62] : memref<100000x1024xf32, #tpu.memory_space<hbm>> -> memref<16x1024xf32, #tpu.memory_space<hbm>>
    %dma_wait3A_64 = arith.constant 0 : i32
    %dma_wait3A_65 = arith.constant 0 : i32
    %dma_wait3A_66 = tpu.memref_slice %arg3[%dma_wait3A_64, %dma_wait3A_65] : memref<100000x1024xf32, #tpu.memory_space<hbm>> -> memref<16x1024xf32, #tpu.memory_space<hbm>>
    tpu.wait_dma2 semaphore(%arg12 : memref<!tpu.dma_semaphore, #tpu.memory_space<semaphore_mem>>) src(%dma_wait3A_66 : memref<16x1024xf32, #tpu.memory_space<hbm>>) dst(%arg6 : memref<16x1024xf32, #tpu.memory_space<vmem>>)
    %add3A_67 = arith.constant 0 : i32
    %add3A_68 = arith.addi %mul3A_32, %add3A_67 : i32
    %dma_start3A_69 = arith.constant 0 : i32
    %dma_start3A_70 = tpu.memref_slice %arg4[%select_n3A, %add3A_68, %dma_start3A_69] : memref<4x4096x1024xf32, #tpu.memory_space<hbm>> -> memref<1x16x1024xf32, #tpu.memory_space<hbm>>
    %dma_start3A_71 = tpu.memref_squeeze %dma_start3A_70 : memref<1x16x1024xf32, #tpu.memory_space<hbm>> -> memref<16x1024xf32, #tpu.memory_space<hbm>>
    %dma_start3A_72 = arith.constant 0 : i32
    %dma_start3A_73 = tpu.memref_slice %arg4[%select_n3A, %add3A_68, %dma_start3A_72] : memref<4x4096x1024xf32, #tpu.memory_space<hbm>> -> memref<1x16x1024xf32, #tpu.memory_space<hbm>>
    %dma_start3A_74 = tpu.memref_squeeze %dma_start3A_73 : memref<1x16x1024xf32, #tpu.memory_space<hbm>> -> memref<16x1024xf32, #tpu.memory_space<hbm>>
    tpu.enqueue_dma source(%arg6 : memref<16x1024xf32, #tpu.memory_space<vmem>>) target(%dma_start3A_74 : memref<16x1024xf32, #tpu.memory_space<hbm>>) target_semaphore(%arg18 : memref<!tpu.dma_semaphore, #tpu.memory_space<semaphore_mem>>)
    %scan3A = arith.constant 0 : i32
    %scan3A_75 = arith.constant 4 : i32
    %scan3A_76 = arith.addi %scan3A, %scan3A_75 : i32
    %scan3A_77 = arith.constant 1 : i32
    scf.for %scan3A_251 = %scan3A to %scan3A_76 step %scan3A_77  : i32 {
      %mul3A_252 = arith.constant 1 : i32
      %mul3A_253 = arith.muli %scan3A_251, %mul3A_252 : i32
      %add3A_254 = arith.constant 1 : i32
      %add3A_255 = arith.addi %add3A_254, %mul3A_253 : i32
      %mul3A_256 = arith.constant 6 : i32
      %mul3A_257 = arith.muli %add3A_255, %mul3A_256 : i32
      %add3A_258 = arith.constant 0 : i32
      %add3A_259 = arith.addi %mul3A_257, %add3A_258 : i32
      %sub3A_260 = arith.constant 6 : i32
      %sub3A_261 = arith.subi %add3A_259, %sub3A_260 : i32
      %mul3A_262 = arith.constant 16 : i32
      %mul3A_263 = arith.muli %sub3A_261, %mul3A_262 : i32
      %add3A_264 = arith.addi %mul3A_32, %mul3A_263 : i32
      %dma_wait3A_265 = arith.constant 0 : i32
      %dma_wait3A_266 = tpu.memref_slice %arg4[%select_n3A, %add3A_264, %dma_wait3A_265] : memref<4x4096x1024xf32, #tpu.memory_space<hbm>> -> memref<1x16x1024xf32, #tpu.memory_space<hbm>>
      %dma_wait3A_267 = tpu.memref_squeeze %dma_wait3A_266 : memref<1x16x1024xf32, #tpu.memory_space<hbm>> -> memref<16x1024xf32, #tpu.memory_space<hbm>>
      %dma_wait3A_268 = arith.constant 0 : i32
      %dma_wait3A_269 = tpu.memref_slice %arg4[%select_n3A, %add3A_264, %dma_wait3A_268] : memref<4x4096x1024xf32, #tpu.memory_space<hbm>> -> memref<1x16x1024xf32, #tpu.memory_space<hbm>>
      %dma_wait3A_270 = tpu.memref_squeeze %dma_wait3A_269 : memref<1x16x1024xf32, #tpu.memory_space<hbm>> -> memref<16x1024xf32, #tpu.memory_space<hbm>>
      tpu.wait_dma2 semaphore(%arg18 : memref<!tpu.dma_semaphore, #tpu.memory_space<semaphore_mem>>) src(%arg6 : memref<16x1024xf32, #tpu.memory_space<vmem>>) dst(%dma_wait3A_270 : memref<16x1024xf32, #tpu.memory_space<hbm>>)
      %mul3A_271 = arith.constant 16 : i32
      %mul3A_272 = arith.muli %add3A_259, %mul3A_271 : i32
      %dma_start3A_273 = tpu.memref_slice %arg5[%mul3A_272] : memref<512xi32, #tpu.memory_space<vmem>> -> memref<16xi32, #tpu.memory_space<vmem>>
      %dma_start3A_274 = arith.constant 0 : i32
      %dma_start3A_275 = arith.constant 0 : i32
      %dma_start3A_276 = tpu.memref_slice %arg3[%dma_start3A_274, %dma_start3A_275] : memref<100000x1024xf32, #tpu.memory_space<hbm>> -> memref<100000x1024xf32, #tpu.memory_space<hbm>>
      tpu.enqueue_indirect_dma source(%dma_start3A_276 : memref<100000x1024xf32, #tpu.memory_space<hbm>>) target(%arg6 : memref<16x1024xf32, #tpu.memory_space<vmem>>) offsets(%dma_start3A_273 : memref<16xi32, #tpu.memory_space<vmem>>) semaphore(%arg12 : memref<!tpu.dma_semaphore, #tpu.memory_space<semaphore_mem>>)
      %dma_wait3A_277 = arith.constant 0 : i32
      %dma_wait3A_278 = arith.constant 0 : i32
      %dma_wait3A_279 = tpu.memref_slice %arg3[%dma_wait3A_277, %dma_wait3A_278] : memref<100000x1024xf32, #tpu.memory_space<hbm>> -> memref<16x1024xf32, #tpu.memory_space<hbm>>
      %dma_wait3A_280 = arith.constant 0 : i32
      %dma_wait3A_281 = arith.constant 0 : i32
      %dma_wait3A_282 = tpu.memref_slice %arg3[%dma_wait3A_280, %dma_wait3A_281] : memref<100000x1024xf32, #tpu.memory_space<hbm>> -> memref<16x1024xf32, #tpu.memory_space<hbm>>
      tpu.wait_dma2 semaphore(%arg13 : memref<!tpu.dma_semaphore, #tpu.memory_space<semaphore_mem>>) src(%dma_wait3A_282 : memref<16x1024xf32, #tpu.memory_space<hbm>>) dst(%arg7 : memref<16x1024xf32, #tpu.memory_space<vmem>>)
      %sub3A_283 = arith.constant 5 : i32
      %sub3A_284 = arith.subi %add3A_259, %sub3A_283 : i32
      %mul3A_285 = arith.constant 16 : i32
      %mul3A_286 = arith.muli %sub3A_284, %mul3A_285 : i32
      %add3A_287 = arith.addi %mul3A_32, %mul3A_286 : i32
      %dma_start3A_288 = arith.constant 0 : i32
      %dma_start3A_289 = tpu.memref_slice %arg4[%select_n3A, %add3A_287, %dma_start3A_288] : memref<4x4096x1024xf32, #tpu.memory_space<hbm>> -> memref<1x16x1024xf32, #tpu.memory_space<hbm>>
      %dma_start3A_290 = tpu.memref_squeeze %dma_start3A_289 : memref<1x16x1024xf32, #tpu.memory_space<hbm>> -> memref<16x1024xf32, #tpu.memory_space<hbm>>
      %dma_start3A_291 = arith.constant 0 : i32
      %dma_start3A_292 = tpu.memref_slice %arg4[%select_n3A, %add3A_287, %dma_start3A_291] : memref<4x4096x1024xf32, #tpu.memory_space<hbm>> -> memref<1x16x1024xf32, #tpu.memory_space<hbm>>
      %dma_start3A_293 = tpu.memref_squeeze %dma_start3A_292 : memref<1x16x1024xf32, #tpu.memory_space<hbm>> -> memref<16x1024xf32, #tpu.memory_space<hbm>>
      tpu.enqueue_dma source(%arg7 : memref<16x1024xf32, #tpu.memory_space<vmem>>) target(%dma_start3A_293 : memref<16x1024xf32, #tpu.memory_space<hbm>>) target_semaphore(%arg19 : memref<!tpu.dma_semaphore, #tpu.memory_space<semaphore_mem>>)
      %mul3A_294 = arith.constant 6 : i32
      %mul3A_295 = arith.muli %add3A_255, %mul3A_294 : i32
      %add3A_296 = arith.constant 1 : i32
      %add3A_297 = arith.addi %mul3A_295, %add3A_296 : i32
      %sub3A_298 = arith.constant 6 : i32
      %sub3A_299 = arith.subi %add3A_297, %sub3A_298 : i32
      %mul3A_300 = arith.constant 16 : i32
      %mul3A_301 = arith.muli %sub3A_299, %mul3A_300 : i32
      %add3A_302 = arith.addi %mul3A_32, %mul3A_301 : i32
      %dma_wait3A_303 = arith.constant 0 : i32
      %dma_wait3A_304 = tpu.memref_slice %arg4[%select_n3A, %add3A_302, %dma_wait3A_303] : memref<4x4096x1024xf32, #tpu.memory_space<hbm>> -> memref<1x16x1024xf32, #tpu.memory_space<hbm>>
      %dma_wait3A_305 = tpu.memref_squeeze %dma_wait3A_304 : memref<1x16x1024xf32, #tpu.memory_space<hbm>> -> memref<16x1024xf32, #tpu.memory_space<hbm>>
      %dma_wait3A_306 = arith.constant 0 : i32
      %dma_wait3A_307 = tpu.memref_slice %arg4[%select_n3A, %add3A_302, %dma_wait3A_306] : memref<4x4096x1024xf32, #tpu.memory_space<hbm>> -> memref<1x16x1024xf32, #tpu.memory_space<hbm>>
      %dma_wait3A_308 = tpu.memref_squeeze %dma_wait3A_307 : memref<1x16x1024xf32, #tpu.memory_space<hbm>> -> memref<16x1024xf32, #tpu.memory_space<hbm>>
      tpu.wait_dma2 semaphore(%arg19 : memref<!tpu.dma_semaphore, #tpu.memory_space<semaphore_mem>>) src(%arg7 : memref<16x1024xf32, #tpu.memory_space<vmem>>) dst(%dma_wait3A_308 : memref<16x1024xf32, #tpu.memory_space<hbm>>)
      %mul3A_309 = arith.constant 16 : i32
      %mul3A_310 = arith.muli %add3A_297, %mul3A_309 : i32
      %dma_start3A_311 = tpu.memref_slice %arg5[%mul3A_310] : memref<512xi32, #tpu.memory_space<vmem>> -> memref<16xi32, #tpu.memory_space<vmem>>
      %dma_start3A_312 = arith.constant 0 : i32
      %dma_start3A_313 = arith.constant 0 : i32
      %dma_start3A_314 = tpu.memref_slice %arg3[%dma_start3A_312, %dma_start3A_313] : memref<100000x1024xf32, #tpu.memory_space<hbm>> -> memref<100000x1024xf32, #tpu.memory_space<hbm>>
      tpu.enqueue_indirect_dma source(%dma_start3A_314 : memref<100000x1024xf32, #tpu.memory_space<hbm>>) target(%arg7 : memref<16x1024xf32, #tpu.memory_space<vmem>>) offsets(%dma_start3A_311 : memref<16xi32, #tpu.memory_space<vmem>>) semaphore(%arg13 : memref<!tpu.dma_semaphore, #tpu.memory_space<semaphore_mem>>)
      %dma_wait3A_315 = arith.constant 0 : i32
      %dma_wait3A_316 = arith.constant 0 : i32
      %dma_wait3A_317 = tpu.memref_slice %arg3[%dma_wait3A_315, %dma_wait3A_316] : memref<100000x1024xf32, #tpu.memory_space<hbm>> -> memref<16x1024xf32, #tpu.memory_space<hbm>>
      %dma_wait3A_318 = arith.constant 0 : i32
      %dma_wait3A_319 = arith.constant 0 : i32
      %dma_wait3A_320 = tpu.memref_slice %arg3[%dma_wait3A_318, %dma_wait3A_319] : memref<100000x1024xf32, #tpu.memory_space<hbm>> -> memref<16x1024xf32, #tpu.memory_space<hbm>>
      tpu.wait_dma2 semaphore(%arg14 : memref<!tpu.dma_semaphore, #tpu.memory_space<semaphore_mem>>) src(%dma_wait3A_320 : memref<16x1024xf32, #tpu.memory_space<hbm>>) dst(%arg8 : memref<16x1024xf32, #tpu.memory_space<vmem>>)
      %sub3A_321 = arith.constant 5 : i32
      %sub3A_322 = arith.subi %add3A_297, %sub3A_321 : i32
      %mul3A_323 = arith.constant 16 : i32
      %mul3A_324 = arith.muli %sub3A_322, %mul3A_323 : i32
      %add3A_325 = arith.addi %mul3A_32, %mul3A_324 : i32
      %dma_start3A_326 = arith.constant 0 : i32
      %dma_start3A_327 = tpu.memref_slice %arg4[%select_n3A, %add3A_325, %dma_start3A_326] : memref<4x4096x1024xf32, #tpu.memory_space<hbm>> -> memref<1x16x1024xf32, #tpu.memory_space<hbm>>
      %dma_start3A_328 = tpu.memref_squeeze %dma_start3A_327 : memref<1x16x1024xf32, #tpu.memory_space<hbm>> -> memref<16x1024xf32, #tpu.memory_space<hbm>>
      %dma_start3A_329 = arith.constant 0 : i32
      %dma_start3A_330 = tpu.memref_slice %arg4[%select_n3A, %add3A_325, %dma_start3A_329] : memref<4x4096x1024xf32, #tpu.memory_space<hbm>> -> memref<1x16x1024xf32, #tpu.memory_space<hbm>>
      %dma_start3A_331 = tpu.memref_squeeze %dma_start3A_330 : memref<1x16x1024xf32, #tpu.memory_space<hbm>> -> memref<16x1024xf32, #tpu.memory_space<hbm>>
      tpu.enqueue_dma source(%arg8 : memref<16x1024xf32, #tpu.memory_space<vmem>>) target(%dma_start3A_331 : memref<16x1024xf32, #tpu.memory_space<hbm>>) target_semaphore(%arg20 : memref<!tpu.dma_semaphore, #tpu.memory_space<semaphore_mem>>)
      %mul3A_332 = arith.constant 6 : i32
      %mul3A_333 = arith.muli %add3A_255, %mul3A_332 : i32
      %add3A_334 = arith.constant 2 : i32
      %add3A_335 = arith.addi %mul3A_333, %add3A_334 : i32
      %sub3A_336 = arith.constant 6 : i32
      %sub3A_337 = arith.subi %add3A_335, %sub3A_336 : i32
      %mul3A_338 = arith.constant 16 : i32
      %mul3A_339 = arith.muli %sub3A_337, %mul3A_338 : i32
      %add3A_340 = arith.addi %mul3A_32, %mul3A_339 : i32
      %dma_wait3A_341 = arith.constant 0 : i32
      %dma_wait3A_342 = tpu.memref_slice %arg4[%select_n3A, %add3A_340, %dma_wait3A_341] : memref<4x4096x1024xf32, #tpu.memory_space<hbm>> -> memref<1x16x1024xf32, #tpu.memory_space<hbm>>
      %dma_wait3A_343 = tpu.memref_squeeze %dma_wait3A_342 : memref<1x16x1024xf32, #tpu.memory_space<hbm>> -> memref<16x1024xf32, #tpu.memory_space<hbm>>
      %dma_wait3A_344 = arith.constant 0 : i32
      %dma_wait3A_345 = tpu.memref_slice %arg4[%select_n3A, %add3A_340, %dma_wait3A_344] : memref<4x4096x1024xf32, #tpu.memory_space<hbm>> -> memref<1x16x1024xf32, #tpu.memory_space<hbm>>
      %dma_wait3A_346 = tpu.memref_squeeze %dma_wait3A_345 : memref<1x16x1024xf32, #tpu.memory_space<hbm>> -> memref<16x1024xf32, #tpu.memory_space<hbm>>
      tpu.wait_dma2 semaphore(%arg20 : memref<!tpu.dma_semaphore, #tpu.memory_space<semaphore_mem>>) src(%arg8 : memref<16x1024xf32, #tpu.memory_space<vmem>>) dst(%dma_wait3A_346 : memref<16x1024xf32, #tpu.memory_space<hbm>>)
      %mul3A_347 = arith.constant 16 : i32
      %mul3A_348 = arith.muli %add3A_335, %mul3A_347 : i32
      %dma_start3A_349 = tpu.memref_slice %arg5[%mul3A_348] : memref<512xi32, #tpu.memory_space<vmem>> -> memref<16xi32, #tpu.memory_space<vmem>>
      %dma_start3A_350 = arith.constant 0 : i32
      %dma_start3A_351 = arith.constant 0 : i32
      %dma_start3A_352 = tpu.memref_slice %arg3[%dma_start3A_350, %dma_start3A_351] : memref<100000x1024xf32, #tpu.memory_space<hbm>> -> memref<100000x1024xf32, #tpu.memory_space<hbm>>
      tpu.enqueue_indirect_dma source(%dma_start3A_352 : memref<100000x1024xf32, #tpu.memory_space<hbm>>) target(%arg8 : memref<16x1024xf32, #tpu.memory_space<vmem>>) offsets(%dma_start3A_349 : memref<16xi32, #tpu.memory_space<vmem>>) semaphore(%arg14 : memref<!tpu.dma_semaphore, #tpu.memory_space<semaphore_mem>>)
      %dma_wait3A_353 = arith.constant 0 : i32
      %dma_wait3A_354 = arith.constant 0 : i32
      %dma_wait3A_355 = tpu.memref_slice %arg3[%dma_wait3A_353, %dma_wait3A_354] : memref<100000x1024xf32, #tpu.memory_space<hbm>> -> memref<16x1024xf32, #tpu.memory_space<hbm>>
      %dma_wait3A_356 = arith.constant 0 : i32
      %dma_wait3A_357 = arith.constant 0 : i32
      %dma_wait3A_358 = tpu.memref_slice %arg3[%dma_wait3A_356, %dma_wait3A_357] : memref<100000x1024xf32, #tpu.memory_space<hbm>> -> memref<16x1024xf32, #tpu.memory_space<hbm>>
      tpu.wait_dma2 semaphore(%arg15 : memref<!tpu.dma_semaphore, #tpu.memory_space<semaphore_mem>>) src(%dma_wait3A_358 : memref<16x1024xf32, #tpu.memory_space<hbm>>) dst(%arg9 : memref<16x1024xf32, #tpu.memory_space<vmem>>)
      %sub3A_359 = arith.constant 5 : i32
      %sub3A_360 = arith.subi %add3A_335, %sub3A_359 : i32
      %mul3A_361 = arith.constant 16 : i32
      %mul3A_362 = arith.muli %sub3A_360, %mul3A_361 : i32
      %add3A_363 = arith.addi %mul3A_32, %mul3A_362 : i32
      %dma_start3A_364 = arith.constant 0 : i32
      %dma_start3A_365 = tpu.memref_slice %arg4[%select_n3A, %add3A_363, %dma_start3A_364] : memref<4x4096x1024xf32, #tpu.memory_space<hbm>> -> memref<1x16x1024xf32, #tpu.memory_space<hbm>>
      %dma_start3A_366 = tpu.memref_squeeze %dma_start3A_365 : memref<1x16x1024xf32, #tpu.memory_space<hbm>> -> memref<16x1024xf32, #tpu.memory_space<hbm>>
      %dma_start3A_367 = arith.constant 0 : i32
      %dma_start3A_368 = tpu.memref_slice %arg4[%select_n3A, %add3A_363, %dma_start3A_367] : memref<4x4096x1024xf32, #tpu.memory_space<hbm>> -> memref<1x16x1024xf32, #tpu.memory_space<hbm>>
      %dma_start3A_369 = tpu.memref_squeeze %dma_start3A_368 : memref<1x16x1024xf32, #tpu.memory_space<hbm>> -> memref<16x1024xf32, #tpu.memory_space<hbm>>
      tpu.enqueue_dma source(%arg9 : memref<16x1024xf32, #tpu.memory_space<vmem>>) target(%dma_start3A_369 : memref<16x1024xf32, #tpu.memory_space<hbm>>) target_semaphore(%arg21 : memref<!tpu.dma_semaphore, #tpu.memory_space<semaphore_mem>>)
      %mul3A_370 = arith.constant 6 : i32
      %mul3A_371 = arith.muli %add3A_255, %mul3A_370 : i32
      %add3A_372 = arith.constant 3 : i32
      %add3A_373 = arith.addi %mul3A_371, %add3A_372 : i32
      %sub3A_374 = arith.constant 6 : i32
      %sub3A_375 = arith.subi %add3A_373, %sub3A_374 : i32
      %mul3A_376 = arith.constant 16 : i32
      %mul3A_377 = arith.muli %sub3A_375, %mul3A_376 : i32
      %add3A_378 = arith.addi %mul3A_32, %mul3A_377 : i32
      %dma_wait3A_379 = arith.constant 0 : i32
      %dma_wait3A_380 = tpu.memref_slice %arg4[%select_n3A, %add3A_378, %dma_wait3A_379] : memref<4x4096x1024xf32, #tpu.memory_space<hbm>> -> memref<1x16x1024xf32, #tpu.memory_space<hbm>>
      %dma_wait3A_381 = tpu.memref_squeeze %dma_wait3A_380 : memref<1x16x1024xf32, #tpu.memory_space<hbm>> -> memref<16x1024xf32, #tpu.memory_space<hbm>>
      %dma_wait3A_382 = arith.constant 0 : i32
      %dma_wait3A_383 = tpu.memref_slice %arg4[%select_n3A, %add3A_378, %dma_wait3A_382] : memref<4x4096x1024xf32, #tpu.memory_space<hbm>> -> memref<1x16x1024xf32, #tpu.memory_space<hbm>>
      %dma_wait3A_384 = tpu.memref_squeeze %dma_wait3A_383 : memref<1x16x1024xf32, #tpu.memory_space<hbm>> -> memref<16x1024xf32, #tpu.memory_space<hbm>>
      tpu.wait_dma2 semaphore(%arg21 : memref<!tpu.dma_semaphore, #tpu.memory_space<semaphore_mem>>) src(%arg9 : memref<16x1024xf32, #tpu.memory_space<vmem>>) dst(%dma_wait3A_384 : memref<16x1024xf32, #tpu.memory_space<hbm>>)
      %mul3A_385 = arith.constant 16 : i32
      %mul3A_386 = arith.muli %add3A_373, %mul3A_385 : i32
      %dma_start3A_387 = tpu.memref_slice %arg5[%mul3A_386] : memref<512xi32, #tpu.memory_space<vmem>> -> memref<16xi32, #tpu.memory_space<vmem>>
      %dma_start3A_388 = arith.constant 0 : i32
      %dma_start3A_389 = arith.constant 0 : i32
      %dma_start3A_390 = tpu.memref_slice %arg3[%dma_start3A_388, %dma_start3A_389] : memref<100000x1024xf32, #tpu.memory_space<hbm>> -> memref<100000x1024xf32, #tpu.memory_space<hbm>>
      tpu.enqueue_indirect_dma source(%dma_start3A_390 : memref<100000x1024xf32, #tpu.memory_space<hbm>>) target(%arg9 : memref<16x1024xf32, #tpu.memory_space<vmem>>) offsets(%dma_start3A_387 : memref<16xi32, #tpu.memory_space<vmem>>) semaphore(%arg15 : memref<!tpu.dma_semaphore, #tpu.memory_space<semaphore_mem>>)
      %dma_wait3A_391 = arith.constant 0 : i32
      %dma_wait3A_392 = arith.constant 0 : i32
      %dma_wait3A_393 = tpu.memref_slice %arg3[%dma_wait3A_391, %dma_wait3A_392] : memref<100000x1024xf32, #tpu.memory_space<hbm>> -> memref<16x1024xf32, #tpu.memory_space<hbm>>
      %dma_wait3A_394 = arith.constant 0 : i32
      %dma_wait3A_395 = arith.constant 0 : i32
      %dma_wait3A_396 = tpu.memref_slice %arg3[%dma_wait3A_394, %dma_wait3A_395] : memref<100000x1024xf32, #tpu.memory_space<hbm>> -> memref<16x1024xf32, #tpu.memory_space<hbm>>
      tpu.wait_dma2 semaphore(%arg16 : memref<!tpu.dma_semaphore, #tpu.memory_space<semaphore_mem>>) src(%dma_wait3A_396 : memref<16x1024xf32, #tpu.memory_space<hbm>>) dst(%arg10 : memref<16x1024xf32, #tpu.memory_space<vmem>>)
      %sub3A_397 = arith.constant 5 : i32
      %sub3A_398 = arith.subi %add3A_373, %sub3A_397 : i32
      %mul3A_399 = arith.constant 16 : i32
      %mul3A_400 = arith.muli %sub3A_398, %mul3A_399 : i32
      %add3A_401 = arith.addi %mul3A_32, %mul3A_400 : i32
      %dma_start3A_402 = arith.constant 0 : i32
      %dma_start3A_403 = tpu.memref_slice %arg4[%select_n3A, %add3A_401, %dma_start3A_402] : memref<4x4096x1024xf32, #tpu.memory_space<hbm>> -> memref<1x16x1024xf32, #tpu.memory_space<hbm>>
      %dma_start3A_404 = tpu.memref_squeeze %dma_start3A_403 : memref<1x16x1024xf32, #tpu.memory_space<hbm>> -> memref<16x1024xf32, #tpu.memory_space<hbm>>
      %dma_start3A_405 = arith.constant 0 : i32
      %dma_start3A_406 = tpu.memref_slice %arg4[%select_n3A, %add3A_401, %dma_start3A_405] : memref<4x4096x1024xf32, #tpu.memory_space<hbm>> -> memref<1x16x1024xf32, #tpu.memory_space<hbm>>
      %dma_start3A_407 = tpu.memref_squeeze %dma_start3A_406 : memref<1x16x1024xf32, #tpu.memory_space<hbm>> -> memref<16x1024xf32, #tpu.memory_space<hbm>>
      tpu.enqueue_dma source(%arg10 : memref<16x1024xf32, #tpu.memory_space<vmem>>) target(%dma_start3A_407 : memref<16x1024xf32, #tpu.memory_space<hbm>>) target_semaphore(%arg22 : memref<!tpu.dma_semaphore, #tpu.memory_space<semaphore_mem>>)
      %mul3A_408 = arith.constant 6 : i32
      %mul3A_409 = arith.muli %add3A_255, %mul3A_408 : i32
      %add3A_410 = arith.constant 4 : i32
      %add3A_411 = arith.addi %mul3A_409, %add3A_410 : i32
      %sub3A_412 = arith.constant 6 : i32
      %sub3A_413 = arith.subi %add3A_411, %sub3A_412 : i32
      %mul3A_414 = arith.constant 16 : i32
      %mul3A_415 = arith.muli %sub3A_413, %mul3A_414 : i32
      %add3A_416 = arith.addi %mul3A_32, %mul3A_415 : i32
      %dma_wait3A_417 = arith.constant 0 : i32
      %dma_wait3A_418 = tpu.memref_slice %arg4[%select_n3A, %add3A_416, %dma_wait3A_417] : memref<4x4096x1024xf32, #tpu.memory_space<hbm>> -> memref<1x16x1024xf32, #tpu.memory_space<hbm>>
      %dma_wait3A_419 = tpu.memref_squeeze %dma_wait3A_418 : memref<1x16x1024xf32, #tpu.memory_space<hbm>> -> memref<16x1024xf32, #tpu.memory_space<hbm>>
      %dma_wait3A_420 = arith.constant 0 : i32
      %dma_wait3A_421 = tpu.memref_slice %arg4[%select_n3A, %add3A_416, %dma_wait3A_420] : memref<4x4096x1024xf32, #tpu.memory_space<hbm>> -> memref<1x16x1024xf32, #tpu.memory_space<hbm>>
      %dma_wait3A_422 = tpu.memref_squeeze %dma_wait3A_421 : memref<1x16x1024xf32, #tpu.memory_space<hbm>> -> memref<16x1024xf32, #tpu.memory_space<hbm>>
      tpu.wait_dma2 semaphore(%arg22 : memref<!tpu.dma_semaphore, #tpu.memory_space<semaphore_mem>>) src(%arg10 : memref<16x1024xf32, #tpu.memory_space<vmem>>) dst(%dma_wait3A_422 : memref<16x1024xf32, #tpu.memory_space<hbm>>)
      %mul3A_423 = arith.constant 16 : i32
      %mul3A_424 = arith.muli %add3A_411, %mul3A_423 : i32
      %dma_start3A_425 = tpu.memref_slice %arg5[%mul3A_424] : memref<512xi32, #tpu.memory_space<vmem>> -> memref<16xi32, #tpu.memory_space<vmem>>
      %dma_start3A_426 = arith.constant 0 : i32
      %dma_start3A_427 = arith.constant 0 : i32
      %dma_start3A_428 = tpu.memref_slice %arg3[%dma_start3A_426, %dma_start3A_427] : memref<100000x1024xf32, #tpu.memory_space<hbm>> -> memref<100000x1024xf32, #tpu.memory_space<hbm>>
      tpu.enqueue_indirect_dma source(%dma_start3A_428 : memref<100000x1024xf32, #tpu.memory_space<hbm>>) target(%arg10 : memref<16x1024xf32, #tpu.memory_space<vmem>>) offsets(%dma_start3A_425 : memref<16xi32, #tpu.memory_space<vmem>>) semaphore(%arg16 : memref<!tpu.dma_semaphore, #tpu.memory_space<semaphore_mem>>)
      %dma_wait3A_429 = arith.constant 0 : i32
      %dma_wait3A_430 = arith.constant 0 : i32
      %dma_wait3A_431 = tpu.memref_slice %arg3[%dma_wait3A_429, %dma_wait3A_430] : memref<100000x1024xf32, #tpu.memory_space<hbm>> -> memref<16x1024xf32, #tpu.memory_space<hbm>>
      %dma_wait3A_432 = arith.constant 0 : i32
      %dma_wait3A_433 = arith.constant 0 : i32
      %dma_wait3A_434 = tpu.memref_slice %arg3[%dma_wait3A_432, %dma_wait3A_433] : memref<100000x1024xf32, #tpu.memory_space<hbm>> -> memref<16x1024xf32, #tpu.memory_space<hbm>>
      tpu.wait_dma2 semaphore(%arg17 : memref<!tpu.dma_semaphore, #tpu.memory_space<semaphore_mem>>) src(%dma_wait3A_434 : memref<16x1024xf32, #tpu.memory_space<hbm>>) dst(%arg11 : memref<16x1024xf32, #tpu.memory_space<vmem>>)
      %sub3A_435 = arith.constant 5 : i32
      %sub3A_436 = arith.subi %add3A_411, %sub3A_435 : i32
      %mul3A_437 = arith.constant 16 : i32
      %mul3A_438 = arith.muli %sub3A_436, %mul3A_437 : i32
      %add3A_439 = arith.addi %mul3A_32, %mul3A_438 : i32
      %dma_start3A_440 = arith.constant 0 : i32
      %dma_start3A_441 = tpu.memref_slice %arg4[%select_n3A, %add3A_439, %dma_start3A_440] : memref<4x4096x1024xf32, #tpu.memory_space<hbm>> -> memref<1x16x1024xf32, #tpu.memory_space<hbm>>
      %dma_start3A_442 = tpu.memref_squeeze %dma_start3A_441 : memref<1x16x1024xf32, #tpu.memory_space<hbm>> -> memref<16x1024xf32, #tpu.memory_space<hbm>>
      %dma_start3A_443 = arith.constant 0 : i32
      %dma_start3A_444 = tpu.memref_slice %arg4[%select_n3A, %add3A_439, %dma_start3A_443] : memref<4x4096x1024xf32, #tpu.memory_space<hbm>> -> memref<1x16x1024xf32, #tpu.memory_space<hbm>>
      %dma_start3A_445 = tpu.memref_squeeze %dma_start3A_444 : memref<1x16x1024xf32, #tpu.memory_space<hbm>> -> memref<16x1024xf32, #tpu.memory_space<hbm>>
      tpu.enqueue_dma source(%arg11 : memref<16x1024xf32, #tpu.memory_space<vmem>>) target(%dma_start3A_445 : memref<16x1024xf32, #tpu.memory_space<hbm>>) target_semaphore(%arg23 : memref<!tpu.dma_semaphore, #tpu.memory_space<semaphore_mem>>)
      %mul3A_446 = arith.constant 6 : i32
      %mul3A_447 = arith.muli %add3A_255, %mul3A_446 : i32
      %add3A_448 = arith.constant 5 : i32
      %add3A_449 = arith.addi %mul3A_447, %add3A_448 : i32
      %sub3A_450 = arith.constant 6 : i32
      %sub3A_451 = arith.subi %add3A_449, %sub3A_450 : i32
      %mul3A_452 = arith.constant 16 : i32
      %mul3A_453 = arith.muli %sub3A_451, %mul3A_452 : i32
      %add3A_454 = arith.addi %mul3A_32, %mul3A_453 : i32
      %dma_wait3A_455 = arith.constant 0 : i32
      %dma_wait3A_456 = tpu.memref_slice %arg4[%select_n3A, %add3A_454, %dma_wait3A_455] : memref<4x4096x1024xf32, #tpu.memory_space<hbm>> -> memref<1x16x1024xf32, #tpu.memory_space<hbm>>
      %dma_wait3A_457 = tpu.memref_squeeze %dma_wait3A_456 : memref<1x16x1024xf32, #tpu.memory_space<hbm>> -> memref<16x1024xf32, #tpu.memory_space<hbm>>
      %dma_wait3A_458 = arith.constant 0 : i32
      %dma_wait3A_459 = tpu.memref_slice %arg4[%select_n3A, %add3A_454, %dma_wait3A_458] : memref<4x4096x1024xf32, #tpu.memory_space<hbm>> -> memref<1x16x1024xf32, #tpu.memory_space<hbm>>
      %dma_wait3A_460 = tpu.memref_squeeze %dma_wait3A_459 : memref<1x16x1024xf32, #tpu.memory_space<hbm>> -> memref<16x1024xf32, #tpu.memory_space<hbm>>
      tpu.wait_dma2 semaphore(%arg23 : memref<!tpu.dma_semaphore, #tpu.memory_space<semaphore_mem>>) src(%arg11 : memref<16x1024xf32, #tpu.memory_space<vmem>>) dst(%dma_wait3A_460 : memref<16x1024xf32, #tpu.memory_space<hbm>>)
      %mul3A_461 = arith.constant 16 : i32
      %mul3A_462 = arith.muli %add3A_449, %mul3A_461 : i32
      %dma_start3A_463 = tpu.memref_slice %arg5[%mul3A_462] : memref<512xi32, #tpu.memory_space<vmem>> -> memref<16xi32, #tpu.memory_space<vmem>>
      %dma_start3A_464 = arith.constant 0 : i32
      %dma_start3A_465 = arith.constant 0 : i32
      %dma_start3A_466 = tpu.memref_slice %arg3[%dma_start3A_464, %dma_start3A_465] : memref<100000x1024xf32, #tpu.memory_space<hbm>> -> memref<100000x1024xf32, #tpu.memory_space<hbm>>
      tpu.enqueue_indirect_dma source(%dma_start3A_466 : memref<100000x1024xf32, #tpu.memory_space<hbm>>) target(%arg11 : memref<16x1024xf32, #tpu.memory_space<vmem>>) offsets(%dma_start3A_463 : memref<16xi32, #tpu.memory_space<vmem>>) semaphore(%arg17 : memref<!tpu.dma_semaphore, #tpu.memory_space<semaphore_mem>>)
      %dma_wait3A_467 = arith.constant 0 : i32
      %dma_wait3A_468 = arith.constant 0 : i32
      %dma_wait3A_469 = tpu.memref_slice %arg3[%dma_wait3A_467, %dma_wait3A_468] : memref<100000x1024xf32, #tpu.memory_space<hbm>> -> memref<16x1024xf32, #tpu.memory_space<hbm>>
      %dma_wait3A_470 = arith.constant 0 : i32
      %dma_wait3A_471 = arith.constant 0 : i32
      %dma_wait3A_472 = tpu.memref_slice %arg3[%dma_wait3A_470, %dma_wait3A_471] : memref<100000x1024xf32, #tpu.memory_space<hbm>> -> memref<16x1024xf32, #tpu.memory_space<hbm>>
      tpu.wait_dma2 semaphore(%arg12 : memref<!tpu.dma_semaphore, #tpu.memory_space<semaphore_mem>>) src(%dma_wait3A_472 : memref<16x1024xf32, #tpu.memory_space<hbm>>) dst(%arg6 : memref<16x1024xf32, #tpu.memory_space<vmem>>)
      %sub3A_473 = arith.constant 5 : i32
      %sub3A_474 = arith.subi %add3A_449, %sub3A_473 : i32
      %mul3A_475 = arith.constant 16 : i32
      %mul3A_476 = arith.muli %sub3A_474, %mul3A_475 : i32
      %add3A_477 = arith.addi %mul3A_32, %mul3A_476 : i32
      %dma_start3A_478 = arith.constant 0 : i32
      %dma_start3A_479 = tpu.memref_slice %arg4[%select_n3A, %add3A_477, %dma_start3A_478] : memref<4x4096x1024xf32, #tpu.memory_space<hbm>> -> memref<1x16x1024xf32, #tpu.memory_space<hbm>>
      %dma_start3A_480 = tpu.memref_squeeze %dma_start3A_479 : memref<1x16x1024xf32, #tpu.memory_space<hbm>> -> memref<16x1024xf32, #tpu.memory_space<hbm>>
      %dma_start3A_481 = arith.constant 0 : i32
      %dma_start3A_482 = tpu.memref_slice %arg4[%select_n3A, %add3A_477, %dma_start3A_481] : memref<4x4096x1024xf32, #tpu.memory_space<hbm>> -> memref<1x16x1024xf32, #tpu.memory_space<hbm>>
      %dma_start3A_483 = tpu.memref_squeeze %dma_start3A_482 : memref<1x16x1024xf32, #tpu.memory_space<hbm>> -> memref<16x1024xf32, #tpu.memory_space<hbm>>
      tpu.enqueue_dma source(%arg6 : memref<16x1024xf32, #tpu.memory_space<vmem>>) target(%dma_start3A_483 : memref<16x1024xf32, #tpu.memory_space<hbm>>) target_semaphore(%arg18 : memref<!tpu.dma_semaphore, #tpu.memory_space<semaphore_mem>>)
    }
    %scan3A_78 = arith.constant 4 : i32
    %add3A_79 = arith.constant 384 : i32
    %add3A_80 = arith.addi %mul3A_32, %add3A_79 : i32
    %dma_wait3A_81 = arith.constant 0 : i32
    %dma_wait3A_82 = tpu.memref_slice %arg4[%select_n3A, %add3A_80, %dma_wait3A_81] : memref<4x4096x1024xf32, #tpu.memory_space<hbm>> -> memref<1x16x1024xf32, #tpu.memory_space<hbm>>
    %dma_wait3A_83 = tpu.memref_squeeze %dma_wait3A_82 : memref<1x16x1024xf32, #tpu.memory_space<hbm>> -> memref<16x1024xf32, #tpu.memory_space<hbm>>
    %dma_wait3A_84 = arith.constant 0 : i32
    %dma_wait3A_85 = tpu.memref_slice %arg4[%select_n3A, %add3A_80, %dma_wait3A_84] : memref<4x4096x1024xf32, #tpu.memory_space<hbm>> -> memref<1x16x1024xf32, #tpu.memory_space<hbm>>
    %dma_wait3A_86 = tpu.memref_squeeze %dma_wait3A_85 : memref<1x16x1024xf32, #tpu.memory_space<hbm>> -> memref<16x1024xf32, #tpu.memory_space<hbm>>
    tpu.wait_dma2 semaphore(%arg18 : memref<!tpu.dma_semaphore, #tpu.memory_space<semaphore_mem>>) src(%arg6 : memref<16x1024xf32, #tpu.memory_space<vmem>>) dst(%dma_wait3A_86 : memref<16x1024xf32, #tpu.memory_space<hbm>>)
    %dma_start3A_87 = arith.constant 480 : i32
    %dma_start3A_88 = tpu.memref_slice %arg5[%dma_start3A_87] : memref<512xi32, #tpu.memory_space<vmem>> -> memref<16xi32, #tpu.memory_space<vmem>>
    %dma_start3A_89 = arith.constant 0 : i32
    %dma_start3A_90 = arith.constant 0 : i32
    %dma_start3A_91 = tpu.memref_slice %arg3[%dma_start3A_89, %dma_start3A_90] : memref<100000x1024xf32, #tpu.memory_space<hbm>> -> memref<100000x1024xf32, #tpu.memory_space<hbm>>
    tpu.enqueue_indirect_dma source(%dma_start3A_91 : memref<100000x1024xf32, #tpu.memory_space<hbm>>) target(%arg6 : memref<16x1024xf32, #tpu.memory_space<vmem>>) offsets(%dma_start3A_88 : memref<16xi32, #tpu.memory_space<vmem>>) semaphore(%arg12 : memref<!tpu.dma_semaphore, #tpu.memory_space<semaphore_mem>>)
    %dma_wait3A_92 = arith.constant 0 : i32
    %dma_wait3A_93 = arith.constant 0 : i32
    %dma_wait3A_94 = tpu.memref_slice %arg3[%dma_wait3A_92, %dma_wait3A_93] : memref<100000x1024xf32, #tpu.memory_space<hbm>> -> memref<16x1024xf32, #tpu.memory_space<hbm>>
    %dma_wait3A_95 = arith.constant 0 : i32
    %dma_wait3A_96 = arith.constant 0 : i32
    %dma_wait3A_97 = tpu.memref_slice %arg3[%dma_wait3A_95, %dma_wait3A_96] : memref<100000x1024xf32, #tpu.memory_space<hbm>> -> memref<16x1024xf32, #tpu.memory_space<hbm>>
    tpu.wait_dma2 semaphore(%arg13 : memref<!tpu.dma_semaphore, #tpu.memory_space<semaphore_mem>>) src(%dma_wait3A_97 : memref<16x1024xf32, #tpu.memory_space<hbm>>) dst(%arg7 : memref<16x1024xf32, #tpu.memory_space<vmem>>)
    %add3A_98 = arith.constant 400 : i32
    %add3A_99 = arith.addi %mul3A_32, %add3A_98 : i32
    %dma_start3A_100 = arith.constant 0 : i32
    %dma_start3A_101 = tpu.memref_slice %arg4[%select_n3A, %add3A_99, %dma_start3A_100] : memref<4x4096x1024xf32, #tpu.memory_space<hbm>> -> memref<1x16x1024xf32, #tpu.memory_space<hbm>>
    %dma_start3A_102 = tpu.memref_squeeze %dma_start3A_101 : memref<1x16x1024xf32, #tpu.memory_space<hbm>> -> memref<16x1024xf32, #tpu.memory_space<hbm>>
    %dma_start3A_103 = arith.constant 0 : i32
    %dma_start3A_104 = tpu.memref_slice %arg4[%select_n3A, %add3A_99, %dma_start3A_103] : memref<4x4096x1024xf32, #tpu.memory_space<hbm>> -> memref<1x16x1024xf32, #tpu.memory_space<hbm>>
    %dma_start3A_105 = tpu.memref_squeeze %dma_start3A_104 : memref<1x16x1024xf32, #tpu.memory_space<hbm>> -> memref<16x1024xf32, #tpu.memory_space<hbm>>
    tpu.enqueue_dma source(%arg7 : memref<16x1024xf32, #tpu.memory_space<vmem>>) target(%dma_start3A_105 : memref<16x1024xf32, #tpu.memory_space<hbm>>) target_semaphore(%arg19 : memref<!tpu.dma_semaphore, #tpu.memory_space<semaphore_mem>>)
    %add3A_106 = arith.constant 400 : i32
    %add3A_107 = arith.addi %mul3A_32, %add3A_106 : i32
    %dma_wait3A_108 = arith.constant 0 : i32
    %dma_wait3A_109 = tpu.memref_slice %arg4[%select_n3A, %add3A_107, %dma_wait3A_108] : memref<4x4096x1024xf32, #tpu.memory_space<hbm>> -> memref<1x16x1024xf32, #tpu.memory_space<hbm>>
    %dma_wait3A_110 = tpu.memref_squeeze %dma_wait3A_109 : memref<1x16x1024xf32, #tpu.memory_space<hbm>> -> memref<16x1024xf32, #tpu.memory_space<hbm>>
    %dma_wait3A_111 = arith.constant 0 : i32
    %dma_wait3A_112 = tpu.memref_slice %arg4[%select_n3A, %add3A_107, %dma_wait3A_111] : memref<4x4096x1024xf32, #tpu.memory_space<hbm>> -> memref<1x16x1024xf32, #tpu.memory_space<hbm>>
    %dma_wait3A_113 = tpu.memref_squeeze %dma_wait3A_112 : memref<1x16x1024xf32, #tpu.memory_space<hbm>> -> memref<16x1024xf32, #tpu.memory_space<hbm>>
    tpu.wait_dma2 semaphore(%arg19 : memref<!tpu.dma_semaphore, #tpu.memory_space<semaphore_mem>>) src(%arg7 : memref<16x1024xf32, #tpu.memory_space<vmem>>) dst(%dma_wait3A_113 : memref<16x1024xf32, #tpu.memory_space<hbm>>)
    %dma_start3A_114 = arith.constant 496 : i32
    %dma_start3A_115 = tpu.memref_slice %arg5[%dma_start3A_114] : memref<512xi32, #tpu.memory_space<vmem>> -> memref<16xi32, #tpu.memory_space<vmem>>
    %dma_start3A_116 = arith.constant 0 : i32
    %dma_start3A_117 = arith.constant 0 : i32
    %dma_start3A_118 = tpu.memref_slice %arg3[%dma_start3A_116, %dma_start3A_117] : memref<100000x1024xf32, #tpu.memory_space<hbm>> -> memref<100000x1024xf32, #tpu.memory_space<hbm>>
    tpu.enqueue_indirect_dma source(%dma_start3A_118 : memref<100000x1024xf32, #tpu.memory_space<hbm>>) target(%arg7 : memref<16x1024xf32, #tpu.memory_space<vmem>>) offsets(%dma_start3A_115 : memref<16xi32, #tpu.memory_space<vmem>>) semaphore(%arg13 : memref<!tpu.dma_semaphore, #tpu.memory_space<semaphore_mem>>)
    %dma_wait3A_119 = arith.constant 0 : i32
    %dma_wait3A_120 = arith.constant 0 : i32
    %dma_wait3A_121 = tpu.memref_slice %arg3[%dma_wait3A_119, %dma_wait3A_120] : memref<100000x1024xf32, #tpu.memory_space<hbm>> -> memref<16x1024xf32, #tpu.memory_space<hbm>>
    %dma_wait3A_122 = arith.constant 0 : i32
    %dma_wait3A_123 = arith.constant 0 : i32
    %dma_wait3A_124 = tpu.memref_slice %arg3[%dma_wait3A_122, %dma_wait3A_123] : memref<100000x1024xf32, #tpu.memory_space<hbm>> -> memref<16x1024xf32, #tpu.memory_space<hbm>>
    tpu.wait_dma2 semaphore(%arg14 : memref<!tpu.dma_semaphore, #tpu.memory_space<semaphore_mem>>) src(%dma_wait3A_124 : memref<16x1024xf32, #tpu.memory_space<hbm>>) dst(%arg8 : memref<16x1024xf32, #tpu.memory_space<vmem>>)
    %add3A_125 = arith.constant 416 : i32
    %add3A_126 = arith.addi %mul3A_32, %add3A_125 : i32
    %dma_start3A_127 = arith.constant 0 : i32
    %dma_start3A_128 = tpu.memref_slice %arg4[%select_n3A, %add3A_126, %dma_start3A_127] : memref<4x4096x1024xf32, #tpu.memory_space<hbm>> -> memref<1x16x1024xf32, #tpu.memory_space<hbm>>
    %dma_start3A_129 = tpu.memref_squeeze %dma_start3A_128 : memref<1x16x1024xf32, #tpu.memory_space<hbm>> -> memref<16x1024xf32, #tpu.memory_space<hbm>>
    %dma_start3A_130 = arith.constant 0 : i32
    %dma_start3A_131 = tpu.memref_slice %arg4[%select_n3A, %add3A_126, %dma_start3A_130] : memref<4x4096x1024xf32, #tpu.memory_space<hbm>> -> memref<1x16x1024xf32, #tpu.memory_space<hbm>>
    %dma_start3A_132 = tpu.memref_squeeze %dma_start3A_131 : memref<1x16x1024xf32, #tpu.memory_space<hbm>> -> memref<16x1024xf32, #tpu.memory_space<hbm>>
    tpu.enqueue_dma source(%arg8 : memref<16x1024xf32, #tpu.memory_space<vmem>>) target(%dma_start3A_132 : memref<16x1024xf32, #tpu.memory_space<hbm>>) target_semaphore(%arg20 : memref<!tpu.dma_semaphore, #tpu.memory_space<semaphore_mem>>)
    %dma_wait3A_133 = arith.constant 0 : i32
    %dma_wait3A_134 = arith.constant 0 : i32
    %dma_wait3A_135 = tpu.memref_slice %arg3[%dma_wait3A_133, %dma_wait3A_134] : memref<100000x1024xf32, #tpu.memory_space<hbm>> -> memref<16x1024xf32, #tpu.memory_space<hbm>>
    %dma_wait3A_136 = arith.constant 0 : i32
    %dma_wait3A_137 = arith.constant 0 : i32
    %dma_wait3A_138 = tpu.memref_slice %arg3[%dma_wait3A_136, %dma_wait3A_137] : memref<100000x1024xf32, #tpu.memory_space<hbm>> -> memref<16x1024xf32, #tpu.memory_space<hbm>>
    tpu.wait_dma2 semaphore(%arg15 : memref<!tpu.dma_semaphore, #tpu.memory_space<semaphore_mem>>) src(%dma_wait3A_138 : memref<16x1024xf32, #tpu.memory_space<hbm>>) dst(%arg9 : memref<16x1024xf32, #tpu.memory_space<vmem>>)
    %add3A_139 = arith.constant 432 : i32
    %add3A_140 = arith.addi %mul3A_32, %add3A_139 : i32
    %dma_start3A_141 = arith.constant 0 : i32
    %dma_start3A_142 = tpu.memref_slice %arg4[%select_n3A, %add3A_140, %dma_start3A_141] : memref<4x4096x1024xf32, #tpu.memory_space<hbm>> -> memref<1x16x1024xf32, #tpu.memory_space<hbm>>
    %dma_start3A_143 = tpu.memref_squeeze %dma_start3A_142 : memref<1x16x1024xf32, #tpu.memory_space<hbm>> -> memref<16x1024xf32, #tpu.memory_space<hbm>>
    %dma_start3A_144 = arith.constant 0 : i32
    %dma_start3A_145 = tpu.memref_slice %arg4[%select_n3A, %add3A_140, %dma_start3A_144] : memref<4x4096x1024xf32, #tpu.memory_space<hbm>> -> memref<1x16x1024xf32, #tpu.memory_space<hbm>>
    %dma_start3A_146 = tpu.memref_squeeze %dma_start3A_145 : memref<1x16x1024xf32, #tpu.memory_space<hbm>> -> memref<16x1024xf32, #tpu.memory_space<hbm>>
    tpu.enqueue_dma source(%arg9 : memref<16x1024xf32, #tpu.memory_space<vmem>>) target(%dma_start3A_146 : memref<16x1024xf32, #tpu.memory_space<hbm>>) target_semaphore(%arg21 : memref<!tpu.dma_semaphore, #tpu.memory_space<semaphore_mem>>)
    %dma_wait3A_147 = arith.constant 0 : i32
    %dma_wait3A_148 = arith.constant 0 : i32
    %dma_wait3A_149 = tpu.memref_slice %arg3[%dma_wait3A_147, %dma_wait3A_148] : memref<100000x1024xf32, #tpu.memory_space<hbm>> -> memref<16x1024xf32, #tpu.memory_space<hbm>>
    %dma_wait3A_150 = arith.constant 0 : i32
    %dma_wait3A_151 = arith.constant 0 : i32
    %dma_wait3A_152 = tpu.memref_slice %arg3[%dma_wait3A_150, %dma_wait3A_151] : memref<100000x1024xf32, #tpu.memory_space<hbm>> -> memref<16x1024xf32, #tpu.memory_space<hbm>>
    tpu.wait_dma2 semaphore(%arg16 : memref<!tpu.dma_semaphore, #tpu.memory_space<semaphore_mem>>) src(%dma_wait3A_152 : memref<16x1024xf32, #tpu.memory_space<hbm>>) dst(%arg10 : memref<16x1024xf32, #tpu.memory_space<vmem>>)
    %add3A_153 = arith.constant 448 : i32
    %add3A_154 = arith.addi %mul3A_32, %add3A_153 : i32
    %dma_start3A_155 = arith.constant 0 : i32
    %dma_start3A_156 = tpu.memref_slice %arg4[%select_n3A, %add3A_154, %dma_start3A_155] : memref<4x4096x1024xf32, #tpu.memory_space<hbm>> -> memref<1x16x1024xf32, #tpu.memory_space<hbm>>
    %dma_start3A_157 = tpu.memref_squeeze %dma_start3A_156 : memref<1x16x1024xf32, #tpu.memory_space<hbm>> -> memref<16x1024xf32, #tpu.memory_space<hbm>>
    %dma_start3A_158 = arith.constant 0 : i32
    %dma_start3A_159 = tpu.memref_slice %arg4[%select_n3A, %add3A_154, %dma_start3A_158] : memref<4x4096x1024xf32, #tpu.memory_space<hbm>> -> memref<1x16x1024xf32, #tpu.memory_space<hbm>>
    %dma_start3A_160 = tpu.memref_squeeze %dma_start3A_159 : memref<1x16x1024xf32, #tpu.memory_space<hbm>> -> memref<16x1024xf32, #tpu.memory_space<hbm>>
    tpu.enqueue_dma source(%arg10 : memref<16x1024xf32, #tpu.memory_space<vmem>>) target(%dma_start3A_160 : memref<16x1024xf32, #tpu.memory_space<hbm>>) target_semaphore(%arg22 : memref<!tpu.dma_semaphore, #tpu.memory_space<semaphore_mem>>)
    %dma_wait3A_161 = arith.constant 0 : i32
    %dma_wait3A_162 = arith.constant 0 : i32
    %dma_wait3A_163 = tpu.memref_slice %arg3[%dma_wait3A_161, %dma_wait3A_162] : memref<100000x1024xf32, #tpu.memory_space<hbm>> -> memref<16x1024xf32, #tpu.memory_space<hbm>>
    %dma_wait3A_164 = arith.constant 0 : i32
    %dma_wait3A_165 = arith.constant 0 : i32
    %dma_wait3A_166 = tpu.memref_slice %arg3[%dma_wait3A_164, %dma_wait3A_165] : memref<100000x1024xf32, #tpu.memory_space<hbm>> -> memref<16x1024xf32, #tpu.memory_space<hbm>>
    tpu.wait_dma2 semaphore(%arg17 : memref<!tpu.dma_semaphore, #tpu.memory_space<semaphore_mem>>) src(%dma_wait3A_166 : memref<16x1024xf32, #tpu.memory_space<hbm>>) dst(%arg11 : memref<16x1024xf32, #tpu.memory_space<vmem>>)
    %add3A_167 = arith.constant 464 : i32
    %add3A_168 = arith.addi %mul3A_32, %add3A_167 : i32
    %dma_start3A_169 = arith.constant 0 : i32
    %dma_start3A_170 = tpu.memref_slice %arg4[%select_n3A, %add3A_168, %dma_start3A_169] : memref<4x4096x1024xf32, #tpu.memory_space<hbm>> -> memref<1x16x1024xf32, #tpu.memory_space<hbm>>
    %dma_start3A_171 = tpu.memref_squeeze %dma_start3A_170 : memref<1x16x1024xf32, #tpu.memory_space<hbm>> -> memref<16x1024xf32, #tpu.memory_space<hbm>>
    %dma_start3A_172 = arith.constant 0 : i32
    %dma_start3A_173 = tpu.memref_slice %arg4[%select_n3A, %add3A_168, %dma_start3A_172] : memref<4x4096x1024xf32, #tpu.memory_space<hbm>> -> memref<1x16x1024xf32, #tpu.memory_space<hbm>>
    %dma_start3A_174 = tpu.memref_squeeze %dma_start3A_173 : memref<1x16x1024xf32, #tpu.memory_space<hbm>> -> memref<16x1024xf32, #tpu.memory_space<hbm>>
    tpu.enqueue_dma source(%arg11 : memref<16x1024xf32, #tpu.memory_space<vmem>>) target(%dma_start3A_174 : memref<16x1024xf32, #tpu.memory_space<hbm>>) target_semaphore(%arg23 : memref<!tpu.dma_semaphore, #tpu.memory_space<semaphore_mem>>)
    %dma_wait3A_175 = arith.constant 0 : i32
    %dma_wait3A_176 = arith.constant 0 : i32
    %dma_wait3A_177 = tpu.memref_slice %arg3[%dma_wait3A_175, %dma_wait3A_176] : memref<100000x1024xf32, #tpu.memory_space<hbm>> -> memref<16x1024xf32, #tpu.memory_space<hbm>>
    %dma_wait3A_178 = arith.constant 0 : i32
    %dma_wait3A_179 = arith.constant 0 : i32
    %dma_wait3A_180 = tpu.memref_slice %arg3[%dma_wait3A_178, %dma_wait3A_179] : memref<100000x1024xf32, #tpu.memory_space<hbm>> -> memref<16x1024xf32, #tpu.memory_space<hbm>>
    tpu.wait_dma2 semaphore(%arg12 : memref<!tpu.dma_semaphore, #tpu.memory_space<semaphore_mem>>) src(%dma_wait3A_180 : memref<16x1024xf32, #tpu.memory_space<hbm>>) dst(%arg6 : memref<16x1024xf32, #tpu.memory_space<vmem>>)
    %add3A_181 = arith.constant 480 : i32
    %add3A_182 = arith.addi %mul3A_32, %add3A_181 : i32
    %dma_start3A_183 = arith.constant 0 : i32
    %dma_start3A_184 = tpu.memref_slice %arg4[%select_n3A, %add3A_182, %dma_start3A_183] : memref<4x4096x1024xf32, #tpu.memory_space<hbm>> -> memref<1x16x1024xf32, #tpu.memory_space<hbm>>
    %dma_start3A_185 = tpu.memref_squeeze %dma_start3A_184 : memref<1x16x1024xf32, #tpu.memory_space<hbm>> -> memref<16x1024xf32, #tpu.memory_space<hbm>>
    %dma_start3A_186 = arith.constant 0 : i32
    %dma_start3A_187 = tpu.memref_slice %arg4[%select_n3A, %add3A_182, %dma_start3A_186] : memref<4x4096x1024xf32, #tpu.memory_space<hbm>> -> memref<1x16x1024xf32, #tpu.memory_space<hbm>>
    %dma_start3A_188 = tpu.memref_squeeze %dma_start3A_187 : memref<1x16x1024xf32, #tpu.memory_space<hbm>> -> memref<16x1024xf32, #tpu.memory_space<hbm>>
    tpu.enqueue_dma source(%arg6 : memref<16x1024xf32, #tpu.memory_space<vmem>>) target(%dma_start3A_188 : memref<16x1024xf32, #tpu.memory_space<hbm>>) target_semaphore(%arg18 : memref<!tpu.dma_semaphore, #tpu.memory_space<semaphore_mem>>)
    %dma_wait3A_189 = arith.constant 0 : i32
    %dma_wait3A_190 = arith.constant 0 : i32
    %dma_wait3A_191 = tpu.memref_slice %arg3[%dma_wait3A_189, %dma_wait3A_190] : memref<100000x1024xf32, #tpu.memory_space<hbm>> -> memref<16x1024xf32, #tpu.memory_space<hbm>>
    %dma_wait3A_192 = arith.constant 0 : i32
    %dma_wait3A_193 = arith.constant 0 : i32
    %dma_wait3A_194 = tpu.memref_slice %arg3[%dma_wait3A_192, %dma_wait3A_193] : memref<100000x1024xf32, #tpu.memory_space<hbm>> -> memref<16x1024xf32, #tpu.memory_space<hbm>>
    tpu.wait_dma2 semaphore(%arg13 : memref<!tpu.dma_semaphore, #tpu.memory_space<semaphore_mem>>) src(%dma_wait3A_194 : memref<16x1024xf32, #tpu.memory_space<hbm>>) dst(%arg7 : memref<16x1024xf32, #tpu.memory_space<vmem>>)
    %add3A_195 = arith.constant 496 : i32
    %add3A_196 = arith.addi %mul3A_32, %add3A_195 : i32
    %dma_start3A_197 = arith.constant 0 : i32
    %dma_start3A_198 = tpu.memref_slice %arg4[%select_n3A, %add3A_196, %dma_start3A_197] : memref<4x4096x1024xf32, #tpu.memory_space<hbm>> -> memref<1x16x1024xf32, #tpu.memory_space<hbm>>
    %dma_start3A_199 = tpu.memref_squeeze %dma_start3A_198 : memref<1x16x1024xf32, #tpu.memory_space<hbm>> -> memref<16x1024xf32, #tpu.memory_space<hbm>>
    %dma_start3A_200 = arith.constant 0 : i32
    %dma_start3A_201 = tpu.memref_slice %arg4[%select_n3A, %add3A_196, %dma_start3A_200] : memref<4x4096x1024xf32, #tpu.memory_space<hbm>> -> memref<1x16x1024xf32, #tpu.memory_space<hbm>>
    %dma_start3A_202 = tpu.memref_squeeze %dma_start3A_201 : memref<1x16x1024xf32, #tpu.memory_space<hbm>> -> memref<16x1024xf32, #tpu.memory_space<hbm>>
    tpu.enqueue_dma source(%arg7 : memref<16x1024xf32, #tpu.memory_space<vmem>>) target(%dma_start3A_202 : memref<16x1024xf32, #tpu.memory_space<hbm>>) target_semaphore(%arg19 : memref<!tpu.dma_semaphore, #tpu.memory_space<semaphore_mem>>)
    %add3A_203 = arith.constant 416 : i32
    %add3A_204 = arith.addi %mul3A_32, %add3A_203 : i32
    %dma_wait3A_205 = arith.constant 0 : i32
    %dma_wait3A_206 = tpu.memref_slice %arg4[%select_n3A, %add3A_204, %dma_wait3A_205] : memref<4x4096x1024xf32, #tpu.memory_space<hbm>> -> memref<1x16x1024xf32, #tpu.memory_space<hbm>>
    %dma_wait3A_207 = tpu.memref_squeeze %dma_wait3A_206 : memref<1x16x1024xf32, #tpu.memory_space<hbm>> -> memref<16x1024xf32, #tpu.memory_space<hbm>>
    %dma_wait3A_208 = arith.constant 0 : i32
    %dma_wait3A_209 = tpu.memref_slice %arg4[%select_n3A, %add3A_204, %dma_wait3A_208] : memref<4x4096x1024xf32, #tpu.memory_space<hbm>> -> memref<1x16x1024xf32, #tpu.memory_space<hbm>>
    %dma_wait3A_210 = tpu.memref_squeeze %dma_wait3A_209 : memref<1x16x1024xf32, #tpu.memory_space<hbm>> -> memref<16x1024xf32, #tpu.memory_space<hbm>>
    tpu.wait_dma2 semaphore(%arg20 : memref<!tpu.dma_semaphore, #tpu.memory_space<semaphore_mem>>) src(%arg8 : memref<16x1024xf32, #tpu.memory_space<vmem>>) dst(%dma_wait3A_210 : memref<16x1024xf32, #tpu.memory_space<hbm>>)
    %add3A_211 = arith.constant 432 : i32
    %add3A_212 = arith.addi %mul3A_32, %add3A_211 : i32
    %dma_wait3A_213 = arith.constant 0 : i32
    %dma_wait3A_214 = tpu.memref_slice %arg4[%select_n3A, %add3A_212, %dma_wait3A_213] : memref<4x4096x1024xf32, #tpu.memory_space<hbm>> -> memref<1x16x1024xf32, #tpu.memory_space<hbm>>
    %dma_wait3A_215 = tpu.memref_squeeze %dma_wait3A_214 : memref<1x16x1024xf32, #tpu.memory_space<hbm>> -> memref<16x1024xf32, #tpu.memory_space<hbm>>
    %dma_wait3A_216 = arith.constant 0 : i32
    %dma_wait3A_217 = tpu.memref_slice %arg4[%select_n3A, %add3A_212, %dma_wait3A_216] : memref<4x4096x1024xf32, #tpu.memory_space<hbm>> -> memref<1x16x1024xf32, #tpu.memory_space<hbm>>
    %dma_wait3A_218 = tpu.memref_squeeze %dma_wait3A_217 : memref<1x16x1024xf32, #tpu.memory_space<hbm>> -> memref<16x1024xf32, #tpu.memory_space<hbm>>
    tpu.wait_dma2 semaphore(%arg21 : memref<!tpu.dma_semaphore, #tpu.memory_space<semaphore_mem>>) src(%arg9 : memref<16x1024xf32, #tpu.memory_space<vmem>>) dst(%dma_wait3A_218 : memref<16x1024xf32, #tpu.memory_space<hbm>>)
    %add3A_219 = arith.constant 448 : i32
    %add3A_220 = arith.addi %mul3A_32, %add3A_219 : i32
    %dma_wait3A_221 = arith.constant 0 : i32
    %dma_wait3A_222 = tpu.memref_slice %arg4[%select_n3A, %add3A_220, %dma_wait3A_221] : memref<4x4096x1024xf32, #tpu.memory_space<hbm>> -> memref<1x16x1024xf32, #tpu.memory_space<hbm>>
    %dma_wait3A_223 = tpu.memref_squeeze %dma_wait3A_222 : memref<1x16x1024xf32, #tpu.memory_space<hbm>> -> memref<16x1024xf32, #tpu.memory_space<hbm>>
    %dma_wait3A_224 = arith.constant 0 : i32
    %dma_wait3A_225 = tpu.memref_slice %arg4[%select_n3A, %add3A_220, %dma_wait3A_224] : memref<4x4096x1024xf32, #tpu.memory_space<hbm>> -> memref<1x16x1024xf32, #tpu.memory_space<hbm>>
    %dma_wait3A_226 = tpu.memref_squeeze %dma_wait3A_225 : memref<1x16x1024xf32, #tpu.memory_space<hbm>> -> memref<16x1024xf32, #tpu.memory_space<hbm>>
    tpu.wait_dma2 semaphore(%arg22 : memref<!tpu.dma_semaphore, #tpu.memory_space<semaphore_mem>>) src(%arg10 : memref<16x1024xf32, #tpu.memory_space<vmem>>) dst(%dma_wait3A_226 : memref<16x1024xf32, #tpu.memory_space<hbm>>)
    %add3A_227 = arith.constant 464 : i32
    %add3A_228 = arith.addi %mul3A_32, %add3A_227 : i32
    %dma_wait3A_229 = arith.constant 0 : i32
    %dma_wait3A_230 = tpu.memref_slice %arg4[%select_n3A, %add3A_228, %dma_wait3A_229] : memref<4x4096x1024xf32, #tpu.memory_space<hbm>> -> memref<1x16x1024xf32, #tpu.memory_space<hbm>>
    %dma_wait3A_231 = tpu.memref_squeeze %dma_wait3A_230 : memref<1x16x1024xf32, #tpu.memory_space<hbm>> -> memref<16x1024xf32, #tpu.memory_space<hbm>>
    %dma_wait3A_232 = arith.constant 0 : i32
    %dma_wait3A_233 = tpu.memref_slice %arg4[%select_n3A, %add3A_228, %dma_wait3A_232] : memref<4x4096x1024xf32, #tpu.memory_space<hbm>> -> memref<1x16x1024xf32, #tpu.memory_space<hbm>>
    %dma_wait3A_234 = tpu.memref_squeeze %dma_wait3A_233 : memref<1x16x1024xf32, #tpu.memory_space<hbm>> -> memref<16x1024xf32, #tpu.memory_space<hbm>>
    tpu.wait_dma2 semaphore(%arg23 : memref<!tpu.dma_semaphore, #tpu.memory_space<semaphore_mem>>) src(%arg11 : memref<16x1024xf32, #tpu.memory_space<vmem>>) dst(%dma_wait3A_234 : memref<16x1024xf32, #tpu.memory_space<hbm>>)
    %add3A_235 = arith.constant 480 : i32
    %add3A_236 = arith.addi %mul3A_32, %add3A_235 : i32
    %dma_wait3A_237 = arith.constant 0 : i32
    %dma_wait3A_238 = tpu.memref_slice %arg4[%select_n3A, %add3A_236, %dma_wait3A_237] : memref<4x4096x1024xf32, #tpu.memory_space<hbm>> -> memref<1x16x1024xf32, #tpu.memory_space<hbm>>
    %dma_wait3A_239 = tpu.memref_squeeze %dma_wait3A_238 : memref<1x16x1024xf32, #tpu.memory_space<hbm>> -> memref<16x1024xf32, #tpu.memory_space<hbm>>
    %dma_wait3A_240 = arith.constant 0 : i32
    %dma_wait3A_241 = tpu.memref_slice %arg4[%select_n3A, %add3A_236, %dma_wait3A_240] : memref<4x4096x1024xf32, #tpu.memory_space<hbm>> -> memref<1x16x1024xf32, #tpu.memory_space<hbm>>
    %dma_wait3A_242 = tpu.memref_squeeze %dma_wait3A_241 : memref<1x16x1024xf32, #tpu.memory_space<hbm>> -> memref<16x1024xf32, #tpu.memory_space<hbm>>
    tpu.wait_dma2 semaphore(%arg18 : memref<!tpu.dma_semaphore, #tpu.memory_space<semaphore_mem>>) src(%arg6 : memref<16x1024xf32, #tpu.memory_space<vmem>>) dst(%dma_wait3A_242 : memref<16x1024xf32, #tpu.memory_space<hbm>>)
    %add3A_243 = arith.constant 496 : i32
    %add3A_244 = arith.addi %mul3A_32, %add3A_243 : i32
    %dma_wait3A_245 = arith.constant 0 : i32
    %dma_wait3A_246 = tpu.memref_slice %arg4[%select_n3A, %add3A_244, %dma_wait3A_245] : memref<4x4096x1024xf32, #tpu.memory_space<hbm>> -> memref<1x16x1024xf32, #tpu.memory_space<hbm>>
    %dma_wait3A_247 = tpu.memref_squeeze %dma_wait3A_246 : memref<1x16x1024xf32, #tpu.memory_space<hbm>> -> memref<16x1024xf32, #tpu.memory_space<hbm>>
    %dma_wait3A_248 = arith.constant 0 : i32
    %dma_wait3A_249 = tpu.memref_slice %arg4[%select_n3A, %add3A_244, %dma_wait3A_248] : memref<4x4096x1024xf32, #tpu.memory_space<hbm>> -> memref<1x16x1024xf32, #tpu.memory_space<hbm>>
    %dma_wait3A_250 = tpu.memref_squeeze %dma_wait3A_249 : memref<1x16x1024xf32, #tpu.memory_space<hbm>> -> memref<16x1024xf32, #tpu.memory_space<hbm>>
    tpu.wait_dma2 semaphore(%arg19 : memref<!tpu.dma_semaphore, #tpu.memory_space<semaphore_mem>>) src(%arg7 : memref<16x1024xf32, #tpu.memory_space<vmem>>) dst(%dma_wait3A_250 : memref<16x1024xf32, #tpu.memory_space<hbm>>)
    return
  }
}

</mosaic_0001>

<sc_bundles>
// kernel: kernel.3.cloned.1.call-start
scs
__scs_entry_jumppad:
0x0: {  	(pc) =	sbr.rel $0x88, $3  }
0x1: {  	(tag) =	ssettag $0x0;
	lr =	simm.s32 $0x1  }
0x2: {  	[smem:$0x3F9F] =	sst lr;
	_ =	strace $0xD0000000  }
0x3: {  	_ = 	snop  }
0x4: {  	_ = 	snop  }
0x5: {  	_ = 	snop  }
0x6: {  	_ = 	snop  }
0x7: {  	_ = 	snop  }
__scs_overlays_trampoline_lowered:
0x8: {  	[smem:$0x3FAE] =	sst s0  }
0x9: {  	[smem:$0x3FAF] =	sst s1  }
0xa: {  	[smem:$0x3FB0] =	sst s2  }
0xb: {  	[smem:$0x3FB1] =	sst s3  }
0xc: {  	[smem:$0x3FB2] =	sst s4  }
0xd: {  	[smem:$0x3FB3] =	sst s5  }
0xe: {  	[smem:$0x3FB4] =	sst s6  }
0xf: {  	[smem:$0x3FB5] =	sst s7  }
0x10: {  	[smem:$0x3FB6] =	sst s8  }
0x11: {  	[smem:$0x3FB7] =	sst s9;
	s0 =	simm.s32 @!p0 $0x0  }
0x12: {  	s1 =	sld [smem:$0x3F9D];
	s0 =	simm.s32 @p0 $0x1  }
0x13: {  	[smem:$0x3FB8] =	sst s0;
	s0 =	simm.s32 @!p1 $0x0  }
0x14: {  	s2 =	sld [smem:$0x3F9C];
	s0 =	simm.s32 @p1 $0x1  }
0x15: {  	[smem:$0x3FB9] =	sst s0;
	s0 =	simm.s32 @!p2 $0x0  }
0x16: {  	s3 =	sld [smem:$0x3FDB];
	s0 =	simm.s32 @p2 $0x1  }
0x17: {  	s4 =	simm.s32 $0x1BF5;
	[smem:$0x3FBB] =	sst s0  }
0x18: {  	s0 =	sld [smem:$0x3F9E];
	_ =	swait.ge [sflag:s4], $0x0  }
0x19: {  	s7 =	sld [smem:$0x3F9F]  }
0x1a: {  	s8 =	sadd.s32 $0xFFFFE003, lr  }
0x1b: {  	s9 =	sadd.s32 $0xFFFFFEF7, lr;
	s5 =	simm.s32 $0xFFFFFFFF;
	p2 =	slt.u32 s8, $0xFFFFF086  }
0x1c: {  	p1 =	slt.u32 s9, $0xF7A;
	s5 =	simm.s32 @!p2 $0x0  }
0x1d: {  	s5 =	simm.s32 @p1 $0x1;
	p0 =	seq.s32 s7, s2  }
0x1e: {  	s7 =	smul.u32 @!p0 $0xF7A, s2;
	p2 =	seq.s32 @!p0 s5, $0x0  }
0x1f: {  	s9 =	smul.u32 $0xF7A, s1;
	s8 =	simm.s32 @!p0 $0x1BF5;
	p2 =	por !p2, p0  }
0x20: {  	[sflag:s8] =	ssyncset.s32 @!p0 $0xFFFFF086;
	s6 =	sadd.s32 @!p0 s3, s7;
	s7 =	simm.s32 @!p0 $0x108  }
0x21: {  	s3 =	sadd.s32 s3, s9;
	s6 =	sadd.s32 @!p0 $0x88, s6;
	s7 =	simm.s32 @p2 $0x1082  }
0x22: {  	[simem:s7], [sflag:s8] =	dma.local @!p0 [hbm:s6], $0xF7A  }
0x23: {  	s9 =	sor.u32 $0xD0000000, s2;
	s6 =	simm.s32 $0x108;
	_ =	swait.ge @!p0 [sflag:s8], $0x0  }
0x24: {  	s3 =	sadd.s32 $0x88, s3;
	s6 =	simm.s32 @!p1 $0x1082;
	[sflag:s4] =	ssyncset.s32 $0xFFFFF086  }
0x25: {  	[simem:s6], [sflag:s4] =	dma.local [hbm:s3], $0xF7A  }
0x26: {  	[smem:$0x3F9F] =	sst s1;
	(tag) =	ssettag s2;
	_ =	strace s9  }
0x27: {  	s1 =	sld [smem:$0x3FAF]  }
0x28: {  	s2 =	sld [smem:$0x3FB0]  }
0x29: {  	s4 =	sld [smem:$0x3FB2]  }
0x2a: {  	p0 =	seq.s32 s5, $0x0;
	s5 =	sld [smem:$0x3FB3]  }
0x2b: {  	s6 =	sld [smem:$0x3FB4]  }
0x2c: {  	s7 =	sld [smem:$0x3FB5]  }
0x2d: {  	s3 =	simm.s32 $0x108;
	s8 =	sld [smem:$0x3FB6]  }
0x2e: {  	s3 =	simm.s32 @!p0 $0x1082;
	s9 =	sld [smem:$0x3FB7]  }
0x2f: {  	lr =	sadd.s32 s0, s3;
	s0 =	sld [smem:$0x3FAE]  }
0x30: {  	s3 =	sld [smem:$0x3FB1]  }
0x31: {  	[smem:$0x3FBA] =	sst s10  }
0x32: {  	s10 =	sld [smem:$0x3FB8];
	_ =	sdelay $0x3  }
0x33: {  	p0 =	seq.s32 s10, $0x1;
	s10 =	sld [smem:$0x3FBA];
	_ =	sdelay $0x3  }
0x34: {  	[smem:$0x3FBA] =	sst s10  }
0x35: {  	s10 =	sld [smem:$0x3FB9];
	_ =	sdelay $0x3  }
0x36: {  	p1 =	seq.s32 s10, $0x1;
	s10 =	sld [smem:$0x3FBA];
	_ =	sdelay $0x3  }
0x37: {  	[smem:$0x3FBA] =	sst s10  }
0x38: {  	s10 =	sld [smem:$0x3FBB]  }
0x39: {  	_ = 	snop;
	(pc) =	sbr.ind lr, $3  }
0x3a: {  	_ = 	snop  }
0x3b: {  	_ = 	snop  }
0x3c: {  	p2 =	seq.s32 s10, $0x1;
	s10 =	sld [smem:$0x3FBA]  }
0x3d: {  	_ =	shalt  }
0x3e: {  	_ =	shalt  }
0x3f: {  	_ =	shalt  }
0x40: {  	_ =	shalt  }
0x41: {  	_ =	shalt  }
0x42: {  	_ =	shalt  }
0x43: {  	_ =	shalt  }
0x44: {  	_ =	shalt  }
0x45: {  	_ =	shalt  }
0x46: {  	_ =	shalt  }
0x47: {  	_ =	shalt  }
0x48: {  	_ =	shalt  }
0x49: {  	_ =	shalt  }
0x4a: {  	_ =	shalt  }
0x4b: {  	_ =	shalt  }
0x4c: {  	_ =	shalt  }
0x4d: {  	_ =	shalt  }
0x4e: {  	_ =	shalt  }
0x4f: {  	_ =	shalt  }
0x50: {  	_ =	shalt  }
0x51: {  	_ =	shalt  }
0x52: {  	_ =	shalt  }
0x53: {  	_ =	shalt  }
0x54: {  	_ =	shalt  }
0x55: {  	_ =	shalt  }
0x56: {  	_ =	shalt  }
0x57: {  	_ =	shalt  }
0x58: {  	_ =	shalt  }
0x59: {  	_ =	shalt  }
0x5a: {  	_ =	shalt  }
0x5b: {  	_ =	shalt  }
0x5c: {  	_ =	shalt  }
0x5d: {  	_ =	shalt  }
0x5e: {  	_ =	shalt  }
0x5f: {  	_ =	shalt  }
0x60: {  	_ =	shalt  }
0x61: {  	_ =	shalt  }
0x62: {  	_ =	shalt  }
0x63: {  	_ =	shalt  }
0x64: {  	_ =	shalt  }
0x65: {  	_ =	shalt  }
0x66: {  	_ =	shalt  }
0x67: {  	_ =	shalt  }
0x68: {  	_ =	shalt  }
0x69: {  	_ =	shalt  }
0x6a: {  	_ =	shalt  }
0x6b: {  	_ =	shalt  }
0x6c: {  	_ =	shalt  }
0x6d: {  	_ =	shalt  }
0x6e: {  	_ =	shalt  }
0x6f: {  	_ =	shalt  }
0x70: {  	_ =	shalt  }
0x71: {  	_ =	shalt  }
0x72: {  	_ =	shalt  }
0x73: {  	_ =	shalt  }
0x74: {  	_ =	shalt  }
0x75: {  	_ =	shalt  }
0x76: {  	_ =	shalt  }
0x77: {  	_ =	shalt  }
0x78: {  	_ =	shalt  }
0x79: {  	_ =	shalt  }
0x7a: {  	_ =	shalt  }
0x7b: {  	_ =	shalt  }
0x7c: {  	_ =	shalt  }
0x7d: {  	_ =	shalt  }
0x7e: {  	_ =	shalt  }
0x7f: {  	_ =	shalt  }
0x80: {  	_ =	shalt  }
0x81: {  	_ =	shalt  }
0x82: {  	_ =	shalt  }
0x83: {  	_ =	shalt  }
0x84: {  	_ =	shalt  }
0x85: {  	_ =	shalt  }
0x86: {  	_ =	shalt  }
0x87: {  	_ =	shalt  }
.Lfunc_end0:
.L_simem_size_0:
called_computation_lowered:
.L_overlay_start_0:
0x88: {  	s2 =	sld [smem:$0x3FD9]  }
0x89: {  	s3 =	sld [smem:$0x3FFE];
	_ =	sdelay $0x1  }
0x8a: {  	s1 =	srdreg.scid  }
0x8b: {  	s0 =	sand.u32 $0x1, s1  }
0x8c: {  	s18 =	sshll.u32 s0, $0xA;
	s2 =	sadd.s32 s3, s2  }
0x8d: {  	s2 =	sadd.s32 s2, s18  }
0x8e: {  	[smem:$0x3FC6] =	sst s2  }
0x8f: {  	_ = 	snop  }
0x90: {  	s2 =	sld [smem:$0x3FC9]  }
0x91: {  	s19 =	sld [smem:$0x3FC8]  }
0x92: {  	s4 =	sld [smem:$0x3FD0];
	(tm) =	ssettm $0x1  }
0x93: {  	s5 =	sld [smem:$0x3FFB];
	_ =	sdelay $0x3  }
0x94: {  	_ =	strace s5  }
0x95: {  	s5 =	sld [smem:$0x3FFC];
	_ =	sdelay $0x3  }
0x96: {  	_ =	strace s5  }
0x97: {  	s5 =	sld [smem:$0x3FFD];
	_ =	sdelay $0x3  }
0x98: {  	_ =	strace s5  }
0x99: {  	_ =	strace $0x8FFFFFFF  }
0x9a: {  	s20 =	sld [smem:$0x3FDB];
	_ =	sdelay $0x1  }
0x9b: {  	s6 =	simm.s32 $_scs_section_size  }
0x9c: {  	s7 =	simm.s32 $_size__tile_overlayer_lowered;
	s8 =	simm.s32 $_tile_overlayer_lowered  }
0x9d: {  	s23 =	simm.s32 $0x1BFF;
	s22 =	sshll.u32 s8, $0x1;
	s5 =	sadd.s32 s6, s20  }
0x9e: {  	s9 =	simm.s32 $0x0;
	s21 =	sshll.u32 s7, $0x1;
	s7 =	sadd.s32 s22, s5  }
0x9f: {  	[timem:s9], [sflag:s23] =	dma.local [hbm:s7], s21  }
0xa0: {  	_ =	swait.ge [sflag:s23], s21  }
0xa1: {  	s6 =	ssub.s32 $0x0, s21;
	[sflag:s23] =	ssyncset.done $0x0  }
0xa2: {  	[sflag:s23] =	ssyncadd.s32 s6;
	_ =	sdelay $0x1  }
0xa3: {  	s24 =	simm.s32 $0x1B8B  }
0xa4: {  	_ =	swait.ge [sflag:s24], $0x1  }
0xa5: {  	[sflag:s24] =	ssyncset.done $0x0  }
0xa6: {  	s25 =	simm.s32 $0x1B8E;
	[sflag:s24] =	ssyncadd.s32 $0xFFFFFFFF  }
0xa7: {  	s26 =	simm.s32 $execute0_lowered;
	[smem:$0x3FD2] =	sst s25  }
0xa8: {  	s6 =	sshll.u32 s26, $0x1;
	_ =	strace $0x80000046;
	[dreg:$0x1] =	wrdreg $0xFFFFFFFF  }
0xa9: {  	s28 =	simm.s32 $_size_execute0_lowered;
	s5 =	sadd.s32 s5, s6;
	[dreg:$0x0] =	wrdreg $0x0  }
0xaa: {  	s6 =	sshll.u32 s28, $0x1;
	[dreg:$0x2] =	wrdreg s5  }
0xab: {  	[dreg:$0x3] =	wrdreg s6  }
0xac: {  	[dreg:$0x4] =	wrdreg $0xC0  }
0xad: {  	_ =	task [dreg:s9], $0x5FFFF  }
0xae: {  	[dreg:$0x1] =	wrdreg $0xFFFFFFFF  }
0xaf: {  	[dreg:$0x0] =	wrdreg $0x60  }
0xb0: {  	[dreg:$0x2] =	wrdreg s2  }
0xb1: {  	[dreg:$0x3] =	wrdreg s19  }
0xb2: {  	[dreg:$0x4] =	wrdreg s4  }
0xb3: {  	[dreg:$0x5] =	wrdreg $0x9  }
0xb4: {  	_ =	task.clear_ibuf [dreg:s9], $0x6FFFF;
	_ =	strace $0x90000046  }
0xb5: {  	s29 =	simm.s32 $0x9;
	_ =	strace $0x80000048  }
0xb6: {  	_ =	swait.ge [sflag:s29], $0x1  }
0xb7: {  	[sflag:s29] =	ssyncadd.s32 $0xFFFFFFFF  }
0xb8: {  	_ =	strace $0x90000048  }
0xb9: {  	_ =	sfence  }
0xba: {  	s30 =	sld [smem:$0x0];
	_ =	sdelay $0x2  }
0xbb: {  	s31 =	sshll.u32 s1, $0xD;
	s1 =	sshrl.u32 s1, $0x2  }
0xbc: {  	s3 =	sand.u32 $0x4000, s31;
	s1 =	sadd.s32 s1, s30  }
0xbd: {  	s0 =	sor.u32 s3, s0;
	s1 =	sshll.u32 s1, $0x11  }
0xbe: {  	s0 =	sor.u32 s1, s0  }
0xbf: {  	s0 =	sadd.s32 $0x8F2B, s0  }
0xc0: {  	[sflag:s0] =	ssyncadd.remote.s32 $0x1  }
0xc1: {  	_ =	sfence.sel $0xFFFF  }
0xc2: {  	[dreg:$0x0] =	wrdreg $0xFFFFFFFF;
	(pc) =	sbr.abs _section_cstart, $3  }
0xc3: {  	[dreg:$0x1] =	wrdreg $0xFFFFFFFF  }
0xc4: {  	_ =	task.clear_ibuf [dreg:s9], $0x2FFFF;
	_ =	strace $0x9FFFFFFF  }
0xc5: {  	(tm) =	ssettm $0x7FFFFFFF  }
tec
execute0_lowered:
.L_overlay_start_1:
0x0: {  	(tag) =	ssettag $0x1  }
0x1: {  	s0 =	rddreg [dreg:$0x0]  }
0x2: {  	s2 =	rddreg [dreg:$0x1]  }
0x3: {  	s1 =	rddreg [dreg:$0x2]  }
0x4: {  	s3 =	simm.s32 $0x0;
	s11 =	stileid.u32;
	s4 =	srdreg.scid  }
0x5: {  	s28 =	simm.s32 $0xC200;
	s30 =	simm.s32 $0x0;
	[smem:$0x7FF] =	sst s3  }
0x6: {  	s5 =	sshll.u32 s11, $0x1;
	s4 =	sand.u32 $0x1, s4;
	s6 =	sshrl.u32 s11, $0x2  }
0x7: {  	s29 =	sand.u32 $0x3, s11;
	s11 =	simm.s32 $0x9;
	s5 =	sand.u32 $0x6, s5  }
0x8: {  	s7 =	ssub.s32 $0x2, s4;
	s24 =	sshll.u32 s6, $0x4;
	_ =	strace $0x80000047  }
0x9: {  	s25 =	sshll.u32 s6, $0x16;
	s6 =	sadd.s32 $0x200, s2;
	s8 =	sor.u32 s4, s5  }
0xa: {  	s9 =	sshrl.u32 s7, $0x1;
	s0 =	sadd.s32 s0, s24;
	s5 =	sadd.s32 $0x100, s2  }
0xb: {  	s4 =	sshll.u32 s4, $0x13;
	s10 =	sshll.u32 s8, $0x8;
	s26 =	sshll.u32 s8, $0x13  }
0xc: {  	s9 =	ssub.s32 s7, s9;
	s7 =	sadd.s32 $0x300, s2;
	s8 =	sor.u32 s25, s26  }
0xd: {  	s0 =	sadd.s32 s10, s0;
	s10 =	sshll.u32 s29, $0x14;
	s8 =	sshrl.u32 s8, $0x3  }
0xe: {  	[dreg:$0xa] =	wrdreg s0;
	s0 =	sor.u32 s10, s25;
	s31 =	sadd.s32 s1, s8  }
0xf: {  	s10 =	simm.s32 $0x8;
	s0 =	sor.u32 s4, s0;
	s8 =	sadd.s32 $0xC800, s31  }
0x10: {  	s12 =	sadd.s32 $0xD000, s31;
	s13 =	sadd.s32 $0xD800, s31;
	s14 =	sadd.s32 $0xE000, s31  }
0x11: {  	s15 =	sor.u32 $0x18000, s0;
	s16 =	sadd.s32 $0xE800, s31;
	[dreg:$0xb] =	wrdreg s31  }
0x12: {  	s17 =	sor.u32 $0x4000, s0;
	s18 =	sor.u32 $0x8000, s0;
	[dreg:$0xc] =	wrdreg s8  }
0x13: {  	s22 =	sor.u32 $0xC000, s0;
	s24 =	sor.u32 $0x14000, s0;
	[dreg:$0xd] =	wrdreg s12  }
0x14: {  	s0 =	sor.u32 $0x10000, s0;
	s26 =	sadd.s32 $0xF000, s31;
	[dreg:$0xe] =	wrdreg s13  }
0x15: {  	s29 =	sadd.s32 $0xF800, s31;
	s31 =	smax.u32 s9, $0x1;
	[dreg:$0xf] =	wrdreg s14  }
0x16: {  	s9 =	simm.s32 $0xB200;
	[dreg:$0x10] =	wrdreg s16;
	s4 =	sshrl.u32 s15, $0x3  }
0x17: {  	s8 =	sshrl.u32 s17, $0x3;
	s20 =	sshrl.u32 s18, $0x3;
	[dreg:$0x11] =	wrdreg s26  }
0x18: {  	s23 =	sshrl.u32 s22, $0x3;
	s0 =	sshrl.u32 s0, $0x3;
	[dreg:$0x12] =	wrdreg s29  }
0x19: {  	[dreg:$0x13] =	wrdreg s31;
	s18 =	simm.s32 $0x8200;
	s16 =	simm.s32 $0xCA00  }
0x1a: {  	s17 =	simm.s32 $0x1;
	s22 =	simm.s32 $0x7;
	s12 =	simm.s32 $0x4  }
0x1b: {  	s13 =	simm.s32 $0x5;
	s26 =	simm.s32 $0xB;
	s14 =	simm.s32 $0x6  }
0x1c: {  	s15 =	simm.s32 $0xC;
	s4 =	sadd.s32 s4, s1;
	s19 =	sadd.s32 s8, s1  }
0x1d: {  	s21 =	sadd.s32 s20, s1;
	s8 =	sshrl.u32 s24, $0x3;
	[dreg:$0x4] =	wrdreg s4  }
0x1e: {  	s0 =	sadd.s32 s0, s1;
	s20 =	simm.s32 $0x9A00;
	[dreg:$0x5] =	wrdreg s19  }
0x1f: {  	s24 =	simm.s32 $0xBA00;
	[dreg:$0x6] =	wrdreg s21;
	s4 =	sadd.s32 s23, s1  }
0x20: {  	s25 =	sadd.s32 s8, s1;
	[dreg:$0x9] =	wrdreg s0;
	s8 =	simm.s32 $0x8A00  }
0x21: {  	v2 =	vlaneseq.u32;
	s1 =	simm.s32 $0xA200;
	s21 =	simm.s32 $0xAA00;
	s19 =	simm.s32 $0x10200  }
0x22: {  	vm0 =	vmmov $0xffff;
	v1 =	vshrl.u32 v2, $0x3;
	s0 =	simm.s32 $0x14200;
	s23 =	simm.s32 $0x3;
	[dreg:$0x7] =	wrdreg s4  }
0x23: {  	v0 =	vand.u32 $0x7, v2;
	v2 =	vor.u32 $0x8, v2;
	v1 =	vmul.u32 $0x8, v1;
	[dreg:$0x8] =	wrdreg s25;
	s4 =	simm.s32 $0x2;
	s25 =	simm.s32 $0xA  }
.LBB2_1:
0x24: {  	[dreg:$0x14] =	wrdreg s30  }
0x25: {  	s29 =	rddreg [dreg:$0xa];
	s30 =	simm.s32 $0x80;
	s31 =	simm.s32 $0x200  }
0x26: {  	[tilespmem:s3], [sflag:$0xD] =	stream.strided.gather [hbm4b:s29+s30], $0x200, s31, s30, $0x38;
	[tilespmem:$0x18200] =	vst v63  }
0x27: {  	s29 =	simm.s32 $0xD  }
0x28: {  	_ =	swait.ge [sflag:s29], $0x200  }
0x29: {  	[sflag:s29] =	ssyncset.done $0x0  }
0x2a: {  	[sflag:s29] =	ssyncadd.s32 $0xFFFFFE00  }
0x2b: {  	v3 =	vld [tilespmem:$0x0];
	_ =	sdelay $0x4  }
0x2c: {  	v4 =	vshll.u32 v3, $0x3  }
0x2d: {  	v3 =	vand.u32 $0x7, v3;
	v4 =	vand.u32 $0xFFFFFFC0, v4  }
0x2e: {  	v3 =	vor.u32 v3, v4  }
0x2f: {  	v4 =	vperm.xlane v3, v0;
	_ =	sdelay $0x1  }
0x30: {  	v4 =	vadd.s32 v1, v4;
	_ =	sdelay $0x4  }
0x31: {  	[tilespmem:s31], [sflag:$0x1] =	stream.indirect_vreg.gather [hbm4b:s2+s3], $0x80, v4, vm0, $0xb8;
	[tilespmem:$0x18200] =	vst v63  }
0x32: {  	s29 =	simm.s32 $0xA00;
	v3 =	vperm.xlane v3, v2  }
0x33: {  	[tilespmem:s29], [sflag:$0x1] =	stream.indirect_vreg.gather [hbm4b:s5+s3], $0x80, v4, vm0, $0xb8;
	[tilespmem:$0x18200] =	vst v63  }
0x34: {  	v3 =	vadd.s32 v1, v3;
	s29 =	simm.s32 $0x1200  }
0x35: {  	[tilespmem:s29], [sflag:$0x1] =	stream.indirect_vreg.gather [hbm4b:s6+s3], $0x80, v4, vm0, $0xb8;
	[tilespmem:$0x18200] =	vst v63  }
0x36: {  	s29 =	simm.s32 $0x1A00  }
0x37: {  	[tilespmem:s29], [sflag:$0x1] =	stream.indirect_vreg.gather [hbm4b:s7+s3], $0x80, v4, vm0, $0xb8;
	[tilespmem:$0x18200] =	vst v63  }
0x38: {  	s29 =	simm.s32 $0x2200  }
0x39: {  	[tilespmem:s29], [sflag:$0x1] =	stream.indirect_vreg.gather [hbm4b:s2+s3], $0x80, v3, vm0, $0xb8;
	[tilespmem:$0x18200] =	vst v63  }
0x3a: {  	s29 =	simm.s32 $0x2A00  }
0x3b: {  	[tilespmem:s29], [sflag:$0x1] =	stream.indirect_vreg.gather [hbm4b:s5+s3], $0x80, v3, vm0, $0xb8;
	[tilespmem:$0x18200] =	vst v63  }
0x3c: {  	s29 =	simm.s32 $0x3200  }
0x3d: {  	[tilespmem:s29], [sflag:$0x1] =	stream.indirect_vreg.gather [hbm4b:s6+s3], $0x80, v3, vm0, $0xb8;
	[tilespmem:$0x18200] =	vst v63  }
0x3e: {  	s29 =	simm.s32 $0x3A00  }
0x3f: {  	[tilespmem:s29], [sflag:$0x1] =	stream.indirect_vreg.gather [hbm4b:s7+s3], $0x80, v3, vm0, $0xb8;
	[tilespmem:$0x18200] =	vst v63  }
0x40: {  	v3 =	vld [tilespmem:$0x10];
	_ =	sdelay $0x4  }
0x41: {  	v59 =	vshll.u32 v3, $0x3  }
0x42: {  	v3 =	vand.u32 $0x7, v3;
	v4 =	vand.u32 $0xFFFFFFC0, v59  }
0x43: {  	v3 =	vor.u32 v3, v4  }
0x44: {  	v4 =	vperm.xlane v3, v0;
	_ =	sdelay $0x1  }
0x45: {  	v4 =	vadd.s32 v1, v4;
	_ =	sdelay $0x3  }
0x46: {  	s29 =	simm.s32 $0x4200  }
0x47: {  	[tilespmem:s29], [sflag:$0x2] =	stream.indirect_vreg.gather [hbm4b:s2+s3], $0x80, v4, vm0, $0xb8;
	[tilespmem:$0x18200] =	vst v63  }
0x48: {  	v3 =	vperm.xlane v3, v2;
	s29 =	simm.s32 $0x4A00  }
0x49: {  	[tilespmem:s29], [sflag:$0x2] =	stream.indirect_vreg.gather [hbm4b:s5+s3], $0x80, v4, vm0, $0xb8;
	[tilespmem:$0x18200] =	vst v63  }
0x4a: {  	v3 =	vadd.s32 v1, v3;
	s29 =	simm.s32 $0x5200  }
0x4b: {  	[tilespmem:s29], [sflag:$0x2] =	stream.indirect_vreg.gather [hbm4b:s6+s3], $0x80, v4, vm0, $0xb8;
	[tilespmem:$0x18200] =	vst v63  }
0x4c: {  	s29 =	simm.s32 $0x5A00  }
0x4d: {  	[tilespmem:s29], [sflag:$0x2] =	stream.indirect_vreg.gather [hbm4b:s7+s3], $0x80, v4, vm0, $0xb8;
	[tilespmem:$0x18200] =	vst v63  }
0x4e: {  	s29 =	simm.s32 $0x6200  }
0x4f: {  	[tilespmem:s29], [sflag:$0x2] =	stream.indirect_vreg.gather [hbm4b:s2+s3], $0x80, v3, vm0, $0xb8;
	[tilespmem:$0x18200] =	vst v63  }
0x50: {  	s29 =	simm.s32 $0x6A00  }
0x51: {  	[tilespmem:s29], [sflag:$0x2] =	stream.indirect_vreg.gather [hbm4b:s5+s3], $0x80, v3, vm0, $0xb8;
	[tilespmem:$0x18200] =	vst v63  }
0x52: {  	s29 =	simm.s32 $0x7200  }
0x53: {  	[tilespmem:s29], [sflag:$0x2] =	stream.indirect_vreg.gather [hbm4b:s6+s3], $0x80, v3, vm0, $0xb8;
	[tilespmem:$0x18200] =	vst v63  }
0x54: {  	s29 =	simm.s32 $0x7A00  }
0x55: {  	[tilespmem:s29], [sflag:$0x2] =	stream.indirect_vreg.gather [hbm4b:s7+s3], $0x80, v3, vm0, $0xb8;
	[tilespmem:$0x18200] =	vst v63  }
0x56: {  	v3 =	vld [tilespmem:$0x20];
	_ =	sdelay $0x4  }
0x57: {  	v60 =	vshll.u32 v3, $0x3  }
0x58: {  	v3 =	vand.u32 $0x7, v3;
	v4 =	vand.u32 $0xFFFFFFC0, v60  }
0x59: {  	v3 =	vor.u32 v3, v4  }
0x5a: {  	v4 =	vperm.xlane v3, v0;
	_ =	sdelay $0x1  }
0x5b: {  	v4 =	vadd.s32 v1, v4;
	_ =	sdelay $0x4  }
0x5c: {  	[tilespmem:s18], [sflag:$0x3] =	stream.indirect_vreg.gather [hbm4b:s2+s3], $0x80, v4, vm0, $0xb8;
	[tilespmem:$0x18200] =	vst v63  }
0x5d: {  	v3 =	vperm.xlane v3, v2  }
0x5e: {  	[tilespmem:s8], [sflag:$0x3] =	stream.indirect_vreg.gather [hbm4b:s5+s3], $0x80, v4, vm0, $0xb8;
	[tilespmem:$0x18200] =	vst v63  }
0x5f: {  	v3 =	vadd.s32 v1, v3;
	s18 =	simm.s32 $0x9200  }
0x60: {  	[tilespmem:s18], [sflag:$0x3] =	stream.indirect_vreg.gather [hbm4b:s6+s3], $0x80, v4, vm0, $0xb8;
	[tilespmem:$0x18200] =	vst v63  }
0x61: {  	_ = 	snop  }
0x62: {  	[tilespmem:s20], [sflag:$0x3] =	stream.indirect_vreg.gather [hbm4b:s7+s3], $0x80, v4, vm0, $0xb8;
	[tilespmem:$0x18200] =	vst v63  }
0x63: {  	_ = 	snop  }
0x64: {  	[tilespmem:s1], [sflag:$0x3] =	stream.indirect_vreg.gather [hbm4b:s2+s3], $0x80, v3, vm0, $0xb8;
	[tilespmem:$0x18200] =	vst v63  }
0x65: {  	_ = 	snop  }
0x66: {  	[tilespmem:s21], [sflag:$0x3] =	stream.indirect_vreg.gather [hbm4b:s5+s3], $0x80, v3, vm0, $0xb8;
	[tilespmem:$0x18200] =	vst v63  }
0x67: {  	_ = 	snop  }
0x68: {  	[tilespmem:s9], [sflag:$0x3] =	stream.indirect_vreg.gather [hbm4b:s6+s3], $0x80, v3, vm0, $0xb8;
	[tilespmem:$0x18200] =	vst v63  }
0x69: {  	_ = 	snop  }
0x6a: {  	[tilespmem:s24], [sflag:$0x3] =	stream.indirect_vreg.gather [hbm4b:s7+s3], $0x80, v3, vm0, $0xb8;
	[tilespmem:$0x18200] =	vst v63  }
0x6b: {  	v3 =	vld [tilespmem:$0x30];
	_ =	sdelay $0x4  }
0x6c: {  	v61 =	vshll.u32 v3, $0x3  }
0x6d: {  	v3 =	vand.u32 $0x7, v3;
	v4 =	vand.u32 $0xFFFFFFC0, v61  }
0x6e: {  	v3 =	vor.u32 v3, v4  }
0x6f: {  	v4 =	vperm.xlane v3, v0;
	_ =	sdelay $0x1  }
0x70: {  	v4 =	vadd.s32 v1, v4;
	_ =	sdelay $0x4  }
0x71: {  	[tilespmem:s28], [sflag:$0x4] =	stream.indirect_vreg.gather [hbm4b:s2+s3], $0x80, v4, vm0, $0xb8;
	[tilespmem:$0x18200] =	vst v63  }
0x72: {  	v3 =	vperm.xlane v3, v2  }
0x73: {  	[tilespmem:s16], [sflag:$0x4] =	stream.indirect_vreg.gather [hbm4b:s5+s3], $0x80, v4, vm0, $0xb8;
	[tilespmem:$0x18200] =	vst v63  }
0x74: {  	s31 =	simm.s32 $0xD200;
	v3 =	vadd.s32 v1, v3  }
0x75: {  	[tilespmem:s31], [sflag:$0x4] =	stream.indirect_vreg.gather [hbm4b:s6+s3], $0x80, v4, vm0, $0xb8;
	[tilespmem:$0x18200] =	vst v63  }
0x76: {  	s8 =	simm.s32 $0xDA00  }
0x77: {  	[tilespmem:s8], [sflag:$0x4] =	stream.indirect_vreg.gather [hbm4b:s7+s3], $0x80, v4, vm0, $0xb8;
	[tilespmem:$0x18200] =	vst v63  }
0x78: {  	s9 =	simm.s32 $0xE200  }
0x79: {  	[tilespmem:s9], [sflag:$0x4] =	stream.indirect_vreg.gather [hbm4b:s2+s3], $0x80, v3, vm0, $0xb8;
	[tilespmem:$0x18200] =	vst v63  }
0x7a: {  	s16 =	simm.s32 $0xEA00  }
0x7b: {  	[tilespmem:s16], [sflag:$0x4] =	stream.indirect_vreg.gather [hbm4b:s5+s3], $0x80, v3, vm0, $0xb8;
	[tilespmem:$0x18200] =	vst v63  }
0x7c: {  	s18 =	simm.s32 $0xF200  }
0x7d: {  	[tilespmem:s18], [sflag:$0x4] =	stream.indirect_vreg.gather [hbm4b:s6+s3], $0x80, v3, vm0, $0xb8;
	[tilespmem:$0x18200] =	vst v63  }
0x7e: {  	s20 =	simm.s32 $0xFA00  }
0x7f: {  	[tilespmem:s20], [sflag:$0x4] =	stream.indirect_vreg.gather [hbm4b:s7+s3], $0x80, v3, vm0, $0xb8;
	[tilespmem:$0x18200] =	vst v63  }
0x80: {  	v3 =	vld [tilespmem:$0x40];
	_ =	sdelay $0x4  }
0x81: {  	v62 =	vshll.u32 v3, $0x3  }
0x82: {  	v3 =	vand.u32 $0x7, v3;
	v4 =	vand.u32 $0xFFFFFFC0, v62  }
0x83: {  	v3 =	vor.u32 v3, v4  }
0x84: {  	v4 =	vperm.xlane v3, v0;
	_ =	sdelay $0x1  }
0x85: {  	v4 =	vadd.s32 v1, v4;
	_ =	sdelay $0x4  }
0x86: {  	[tilespmem:s19], [sflag:$0x5] =	stream.indirect_vreg.gather [hbm4b:s2+s3], $0x80, v4, vm0, $0xb8;
	[tilespmem:$0x18200] =	vst v63  }
0x87: {  	s21 =	simm.s32 $0x10A00;
	v3 =	vperm.xlane v3, v2  }
0x88: {  	[tilespmem:s21], [sflag:$0x5] =	stream.indirect_vreg.gather [hbm4b:s5+s3], $0x80, v4, vm0, $0xb8;
	[tilespmem:$0x18200] =	vst v63  }
0x89: {  	s24 =	simm.s32 $0x11200;
	v3 =	vadd.s32 v1, v3  }
0x8a: {  	[tilespmem:s24], [sflag:$0x5] =	stream.indirect_vreg.gather [hbm4b:s6+s3], $0x80, v4, vm0, $0xb8;
	[tilespmem:$0x18200] =	vst v63  }
0x8b: {  	s28 =	simm.s32 $0x11A00  }
0x8c: {  	[tilespmem:s28], [sflag:$0x5] =	stream.indirect_vreg.gather [hbm4b:s7+s3], $0x80, v4, vm0, $0xb8;
	[tilespmem:$0x18200] =	vst v63  }
0x8d: {  	s31 =	simm.s32 $0x12200  }
0x8e: {  	[tilespmem:s31], [sflag:$0x5] =	stream.indirect_vreg.gather [hbm4b:s2+s3], $0x80, v3, vm0, $0xb8;
	[tilespmem:$0x18200] =	vst v63  }
0x8f: {  	s8 =	simm.s32 $0x12A00  }
0x90: {  	[tilespmem:s8], [sflag:$0x5] =	stream.indirect_vreg.gather [hbm4b:s5+s3], $0x80, v3, vm0, $0xb8;
	[tilespmem:$0x18200] =	vst v63  }
0x91: {  	s9 =	simm.s32 $0x13200  }
0x92: {  	[tilespmem:s9], [sflag:$0x5] =	stream.indirect_vreg.gather [hbm4b:s6+s3], $0x80, v3, vm0, $0xb8;
	[tilespmem:$0x18200] =	vst v63  }
0x93: {  	s16 =	simm.s32 $0x13A00  }
0x94: {  	[tilespmem:s16], [sflag:$0x5] =	stream.indirect_vreg.gather [hbm4b:s7+s3], $0x80, v3, vm0, $0xb8;
	[tilespmem:$0x18200] =	vst v63  }
0x95: {  	v3 =	vld [tilespmem:$0x50];
	_ =	sdelay $0x4  }
0x96: {  	v63 =	vshll.u32 v3, $0x3  }
0x97: {  	v3 =	vand.u32 $0x7, v3;
	v4 =	vand.u32 $0xFFFFFFC0, v63  }
0x98: {  	v3 =	vor.u32 v3, v4  }
0x99: {  	v4 =	vperm.xlane v3, v0;
	_ =	sdelay $0x1  }
0x9a: {  	v4 =	vadd.s32 v1, v4;
	_ =	sdelay $0x4  }
0x9b: {  	[tilespmem:s0], [sflag:$0x6] =	stream.indirect_vreg.gather [hbm4b:s2+s3], $0x80, v4, vm0, $0xb8;
	[tilespmem:$0x18200] =	vst v63  }
0x9c: {  	s18 =	simm.s32 $0x14A00;
	v3 =	vperm.xlane v3, v2  }
0x9d: {  	[tilespmem:s18], [sflag:$0x6] =	stream.indirect_vreg.gather [hbm4b:s5+s3], $0x80, v4, vm0, $0xb8;
	[tilespmem:$0x18200] =	vst v63  }
0x9e: {  	s19 =	simm.s32 $0x15200;
	v3 =	vadd.s32 v1, v3  }
0x9f: {  	[tilespmem:s19], [sflag:$0x6] =	stream.indirect_vreg.gather [hbm4b:s6+s3], $0x80, v4, vm0, $0xb8;
	[tilespmem:$0x18200] =	vst v63  }
0xa0: {  	s20 =	simm.s32 $0x15A00  }
0xa1: {  	[tilespmem:s20], [sflag:$0x6] =	stream.indirect_vreg.gather [hbm4b:s7+s3], $0x80, v4, vm0, $0xb8;
	[tilespmem:$0x18200] =	vst v63  }
0xa2: {  	s21 =	simm.s32 $0x16200  }
0xa3: {  	[tilespmem:s21], [sflag:$0x6] =	stream.indirect_vreg.gather [hbm4b:s2+s3], $0x80, v3, vm0, $0xb8;
	[tilespmem:$0x18200] =	vst v63  }
0xa4: {  	s24 =	simm.s32 $0x16A00  }
0xa5: {  	[tilespmem:s24], [sflag:$0x6] =	stream.indirect_vreg.gather [hbm4b:s5+s3], $0x80, v3, vm0, $0xb8;
	[tilespmem:$0x18200] =	vst v63  }
0xa6: {  	s28 =	simm.s32 $0x17200  }
0xa7: {  	[tilespmem:s28], [sflag:$0x6] =	stream.indirect_vreg.gather [hbm4b:s6+s3], $0x80, v3, vm0, $0xb8;
	[tilespmem:$0x18200] =	vst v63  }
0xa8: {  	s31 =	simm.s32 $0x17A00  }
0xa9: {  	[tilespmem:s31], [sflag:$0x6] =	stream.indirect_vreg.gather [hbm4b:s7+s3], $0x80, v3, vm0, $0xb8;
	[tilespmem:$0x18200] =	vst v63  }
0xaa: {  	s30 =	simm.s32 $0x200;
	_ =	swait.ge [sflag:s17], $0x4000  }
0xab: {  	s1 =	simm.s32 $0xA200;
	s9 =	simm.s32 $0xB200;
	[sflag:s17] =	ssyncset.done $0x0  }
0xac: {  	s21 =	simm.s32 $0xAA00;
	s29 =	rddreg [dreg:$0xb];
	[sflag:s17] =	ssyncadd.s32 $0xFFFFC000  }
0xad: {  	[hbm4b:s29+s3] =	stream.linear.scatter [tilespmem:s30], [sflag:$0x7], $0x4000, $0x38;
	[tilespmem:$0x18200] =	vst v63  }
0xae: {  	s24 =	simm.s32 $0xBA00;
	s29 =	simm.s32 $0xB0;
	s30 =	simm.s32 $0x0  }
.LBB2_2:
0xaf: {  	_ =	swait.ge [sflag:s22], $0x4000  }
0xb0: {  	[sflag:s22] =	ssyncset.done $0x0  }
0xb1: {  	[sflag:s22] =	ssyncadd.s32 $0xFFFFC000  }
0xb2: {  	v3 =	vld [tilespmem:s29+$0xFFFFFFB0];
	_ =	sdelay $0x4  }
0xb3: {  	v4 =	vshll.u32 v3, $0x3  }
0xb4: {  	v3 =	vand.u32 $0x7, v3;
	v4 =	vand.u32 $0xFFFFFFC0, v4  }
0xb5: {  	v3 =	vor.u32 v3, v4  }
0xb6: {  	v4 =	vperm.xlane v3, v0;
	_ =	sdelay $0x1  }
0xb7: {  	v4 =	vadd.s32 v1, v4;
	_ =	sdelay $0x3  }
0xb8: {  	s8 =	simm.s32 $0x200  }
0xb9: {  	[tilespmem:s8], [sflag:$0x1] =	stream.indirect_vreg.gather [hbm4b:s2+s3], $0x80, v4, vm0, $0xb8;
	[tilespmem:$0x18200] =	vst v63  }
0xba: {  	s31 =	simm.s32 $0xA00;
	v3 =	vperm.xlane v3, v2  }
0xbb: {  	[tilespmem:s31], [sflag:$0x1] =	stream.indirect_vreg.gather [hbm4b:s5+s3], $0x80, v4, vm0, $0xb8;
	[tilespmem:$0x18200] =	vst v63  }
0xbc: {  	s20 =	simm.s32 $0x1200;
	v3 =	vadd.s32 v1, v3  }
0xbd: {  	[tilespmem:s20], [sflag:$0x1] =	stream.indirect_vreg.gather [hbm4b:s6+s3], $0x80, v4, vm0, $0xb8;
	[tilespmem:$0x18200] =	vst v63  }
0xbe: {  	s0 =	simm.s32 $0x1A00  }
0xbf: {  	[tilespmem:s0], [sflag:$0x1] =	stream.indirect_vreg.gather [hbm4b:s7+s3], $0x80, v4, vm0, $0xb8;
	[tilespmem:$0x18200] =	vst v63  }
0xc0: {  	s16 =	simm.s32 $0x2200  }
0xc1: {  	[tilespmem:s16], [sflag:$0x1] =	stream.indirect_vreg.gather [hbm4b:s2+s3], $0x80, v3, vm0, $0xb8;
	[tilespmem:$0x18200] =	vst v63  }
0xc2: {  	s18 =	simm.s32 $0x2A00  }
0xc3: {  	[tilespmem:s18], [sflag:$0x1] =	stream.indirect_vreg.gather [hbm4b:s5+s3], $0x80, v3, vm0, $0xb8;
	[tilespmem:$0x18200] =	vst v63  }
0xc4: {  	s19 =	simm.s32 $0x3200  }
0xc5: {  	[tilespmem:s19], [sflag:$0x1] =	stream.indirect_vreg.gather [hbm4b:s6+s3], $0x80, v3, vm0, $0xb8;
	[tilespmem:$0x18200] =	vst v63  }
0xc6: {  	s20 =	simm.s32 $0x3A00  }
0xc7: {  	[tilespmem:s20], [sflag:$0x1] =	stream.indirect_vreg.gather [hbm4b:s7+s3], $0x80, v3, vm0, $0xb8;
	[tilespmem:$0x18200] =	vst v63  }
0xc8: {  	_ =	swait.ge [sflag:s4], $0x4000  }
0xc9: {  	s0 =	rddreg [dreg:$0x5];
	[sflag:s4] =	ssyncset.done $0x0  }
0xca: {  	s18 =	simm.s32 $0x4200;
	[sflag:s4] =	ssyncadd.s32 $0xFFFFC000;
	s31 =	sadd.s32 s30, s0  }
0xcb: {  	[hbm4b:s31+s3] =	stream.linear.scatter [tilespmem:s18], [sflag:$0x8], $0x4000, $0x38;
	[tilespmem:$0x18200] =	vst v63  }
0xcc: {  	_ =	swait.ge [sflag:s10], $0x4000  }
0xcd: {  	[sflag:s10] =	ssyncset.done $0x0  }
0xce: {  	[sflag:s10] =	ssyncadd.s32 $0xFFFFC000  }
0xcf: {  	v3 =	vld [tilespmem:s29+$0xFFFFFFC0];
	_ =	sdelay $0x4  }
0xd0: {  	v59 =	vshll.u32 v3, $0x3  }
0xd1: {  	v3 =	vand.u32 $0x7, v3;
	v4 =	vand.u32 $0xFFFFFFC0, v59  }
0xd2: {  	v3 =	vor.u32 v3, v4  }
0xd3: {  	v4 =	vperm.xlane v3, v0;
	_ =	sdelay $0x1  }
0xd4: {  	v4 =	vadd.s32 v1, v4;
	_ =	sdelay $0x4  }
0xd5: {  	[tilespmem:s18], [sflag:$0x2] =	stream.indirect_vreg.gather [hbm4b:s2+s3], $0x80, v4, vm0, $0xb8;
	[tilespmem:$0x18200] =	vst v63  }
0xd6: {  	s16 =	simm.s32 $0x4A00;
	v3 =	vperm.xlane v3, v2  }
0xd7: {  	[tilespmem:s16], [sflag:$0x2] =	stream.indirect_vreg.gather [hbm4b:s5+s3], $0x80, v4, vm0, $0xb8;
	[tilespmem:$0x18200] =	vst v63  }
0xd8: {  	v3 =	vadd.s32 v1, v3;
	s18 =	simm.s32 $0x5200  }
0xd9: {  	[tilespmem:s18], [sflag:$0x2] =	stream.indirect_vreg.gather [hbm4b:s6+s3], $0x80, v4, vm0, $0xb8;
	[tilespmem:$0x18200] =	vst v63  }
0xda: {  	s19 =	simm.s32 $0x5A00  }
0xdb: {  	[tilespmem:s19], [sflag:$0x2] =	stream.indirect_vreg.gather [hbm4b:s7+s3], $0x80, v4, vm0, $0xb8;
	[tilespmem:$0x18200] =	vst v63  }
0xdc: {  	s20 =	simm.s32 $0x6200  }
0xdd: {  	[tilespmem:s20], [sflag:$0x2] =	stream.indirect_vreg.gather [hbm4b:s2+s3], $0x80, v3, vm0, $0xb8;
	[tilespmem:$0x18200] =	vst v63  }
0xde: {  	s0 =	simm.s32 $0x6A00  }
0xdf: {  	[tilespmem:s0], [sflag:$0x2] =	stream.indirect_vreg.gather [hbm4b:s5+s3], $0x80, v3, vm0, $0xb8;
	[tilespmem:$0x18200] =	vst v63  }
0xe0: {  	s16 =	simm.s32 $0x7200  }
0xe1: {  	[tilespmem:s16], [sflag:$0x2] =	stream.indirect_vreg.gather [hbm4b:s6+s3], $0x80, v3, vm0, $0xb8;
	[tilespmem:$0x18200] =	vst v63  }
0xe2: {  	s18 =	simm.s32 $0x7A00  }
0xe3: {  	[tilespmem:s18], [sflag:$0x2] =	stream.indirect_vreg.gather [hbm4b:s7+s3], $0x80, v3, vm0, $0xb8;
	[tilespmem:$0x18200] =	vst v63  }
0xe4: {  	_ =	swait.ge [sflag:s23], $0x4000  }
0xe5: {  	s19 =	rddreg [dreg:$0x6];
	[sflag:s23] =	ssyncset.done $0x0  }
0xe6: {  	s28 =	simm.s32 $0x8200;
	[sflag:s23] =	ssyncadd.s32 $0xFFFFC000;
	s31 =	sadd.s32 s30, s19  }
0xe7: {  	[hbm4b:s31+s3] =	stream.linear.scatter [tilespmem:s28], [sflag:$0x9], $0x4000, $0x38;
	[tilespmem:$0x18200] =	vst v63  }
0xe8: {  	_ =	swait.ge [sflag:s11], $0x4000  }
0xe9: {  	[sflag:s11] =	ssyncset.done $0x0  }
0xea: {  	[sflag:s11] =	ssyncadd.s32 $0xFFFFC000  }
0xeb: {  	v3 =	vld [tilespmem:s29+$0xFFFFFFD0];
	_ =	sdelay $0x4  }
0xec: {  	v60 =	vshll.u32 v3, $0x3  }
0xed: {  	v3 =	vand.u32 $0x7, v3;
	v4 =	vand.u32 $0xFFFFFFC0, v60  }
0xee: {  	v3 =	vor.u32 v3, v4  }
0xef: {  	v4 =	vperm.xlane v3, v0;
	_ =	sdelay $0x1  }
0xf0: {  	v4 =	vadd.s32 v1, v4;
	_ =	sdelay $0x4  }
0xf1: {  	[tilespmem:s28], [sflag:$0x3] =	stream.indirect_vreg.gather [hbm4b:s2+s3], $0x80, v4, vm0, $0xb8;
	[tilespmem:$0x18200] =	vst v63  }
0xf2: {  	s0 =	simm.s32 $0x8A00;
	v3 =	vperm.xlane v3, v2  }
0xf3: {  	[tilespmem:s0], [sflag:$0x3] =	stream.indirect_vreg.gather [hbm4b:s5+s3], $0x80, v4, vm0, $0xb8;
	[tilespmem:$0x18200] =	vst v63  }
0xf4: {  	s20 =	simm.s32 $0x9200;
	v3 =	vadd.s32 v1, v3  }
0xf5: {  	[tilespmem:s20], [sflag:$0x3] =	stream.indirect_vreg.gather [hbm4b:s6+s3], $0x80, v4, vm0, $0xb8;
	[tilespmem:$0x18200] =	vst v63  }
0xf6: {  	s31 =	simm.s32 $0x9A00  }
0xf7: {  	[tilespmem:s31], [sflag:$0x3] =	stream.indirect_vreg.gather [hbm4b:s7+s3], $0x80, v4, vm0, $0xb8;
	[tilespmem:$0x18200] =	vst v63  }
0xf8: {  	_ = 	snop  }
0xf9: {  	[tilespmem:s1], [sflag:$0x3] =	stream.indirect_vreg.gather [hbm4b:s2+s3], $0x80, v3, vm0, $0xb8;
	[tilespmem:$0x18200] =	vst v63  }
0xfa: {  	_ = 	snop  }
0xfb: {  	[tilespmem:s21], [sflag:$0x3] =	stream.indirect_vreg.gather [hbm4b:s5+s3], $0x80, v3, vm0, $0xb8;
	[tilespmem:$0x18200] =	vst v63  }
0xfc: {  	_ = 	snop  }
0xfd: {  	[tilespmem:s9], [sflag:$0x3] =	stream.indirect_vreg.gather [hbm4b:s6+s3], $0x80, v3, vm0, $0xb8;
	[tilespmem:$0x18200] =	vst v63  }
0xfe: {  	_ = 	snop  }
0xff: {  	[tilespmem:s24], [sflag:$0x3] =	stream.indirect_vreg.gather [hbm4b:s7+s3], $0x80, v3, vm0, $0xb8;
	[tilespmem:$0x18200] =	vst v63  }
0x100: {  	_ =	swait.ge [sflag:s12], $0x4000  }
0x101: {  	s16 =	rddreg [dreg:$0x7];
	[sflag:s12] =	ssyncset.done $0x0  }
0x102: {  	[sflag:s12] =	ssyncadd.s32 $0xFFFFC000;
	s31 =	sadd.s32 s30, s16;
	s16 =	simm.s32 $0xC200  }
0x103: {  	[hbm4b:s31+s3] =	stream.linear.scatter [tilespmem:s16], [sflag:$0xA], $0x4000, $0x38;
	[tilespmem:$0x18200] =	vst v63  }
0x104: {  	_ =	swait.ge [sflag:s25], $0x4000  }
0x105: {  	[sflag:s25] =	ssyncset.done $0x0  }
0x106: {  	[sflag:s25] =	ssyncadd.s32 $0xFFFFC000  }
0x107: {  	v3 =	vld [tilespmem:s29+$0xFFFFFFE0];
	_ =	sdelay $0x4  }
0x108: {  	v61 =	vshll.u32 v3, $0x3  }
0x109: {  	v3 =	vand.u32 $0x7, v3;
	v4 =	vand.u32 $0xFFFFFFC0, v61  }
0x10a: {  	v3 =	vor.u32 v3, v4  }
0x10b: {  	v4 =	vperm.xlane v3, v0;
	_ =	sdelay $0x1  }
0x10c: {  	v4 =	vadd.s32 v1, v4;
	_ =	sdelay $0x4  }
0x10d: {  	[tilespmem:s16], [sflag:$0x4] =	stream.indirect_vreg.gather [hbm4b:s2+s3], $0x80, v4, vm0, $0xb8;
	[tilespmem:$0x18200] =	vst v63  }
0x10e: {  	v3 =	vperm.xlane v3, v2;
	s16 =	simm.s32 $0xCA00  }
0x10f: {  	[tilespmem:s16], [sflag:$0x4] =	stream.indirect_vreg.gather [hbm4b:s5+s3], $0x80, v4, vm0, $0xb8;
	[tilespmem:$0x18200] =	vst v63  }
0x110: {  	s19 =	simm.s32 $0xD200;
	v3 =	vadd.s32 v1, v3  }
0x111: {  	[tilespmem:s19], [sflag:$0x4] =	stream.indirect_vreg.gather [hbm4b:s6+s3], $0x80, v4, vm0, $0xb8;
	[tilespmem:$0x18200] =	vst v63  }
0x112: {  	s20 =	simm.s32 $0xDA00  }
0x113: {  	[tilespmem:s20], [sflag:$0x4] =	stream.indirect_vreg.gather [hbm4b:s7+s3], $0x80, v4, vm0, $0xb8;
	[tilespmem:$0x18200] =	vst v63  }
0x114: {  	s31 =	simm.s32 $0xE200  }
0x115: {  	[tilespmem:s31], [sflag:$0x4] =	stream.indirect_vreg.gather [hbm4b:s2+s3], $0x80, v3, vm0, $0xb8;
	[tilespmem:$0x18200] =	vst v63  }
0x116: {  	s19 =	simm.s32 $0xEA00  }
0x117: {  	[tilespmem:s19], [sflag:$0x4] =	stream.indirect_vreg.gather [hbm4b:s5+s3], $0x80, v3, vm0, $0xb8;
	[tilespmem:$0x18200] =	vst v63  }
0x118: {  	s20 =	simm.s32 $0xF200  }
0x119: {  	[tilespmem:s20], [sflag:$0x4] =	stream.indirect_vreg.gather [hbm4b:s6+s3], $0x80, v3, vm0, $0xb8;
	[tilespmem:$0x18200] =	vst v63  }
0x11a: {  	s31 =	simm.s32 $0xFA00  }
0x11b: {  	[tilespmem:s31], [sflag:$0x4] =	stream.indirect_vreg.gather [hbm4b:s7+s3], $0x80, v3, vm0, $0xb8;
	[tilespmem:$0x18200] =	vst v63  }
0x11c: {  	_ =	swait.ge [sflag:s13], $0x4000  }
0x11d: {  	s19 =	rddreg [dreg:$0x9];
	[sflag:s13] =	ssyncset.done $0x0  }
0x11e: {  	s20 =	simm.s32 $0x10200;
	[sflag:s13] =	ssyncadd.s32 $0xFFFFC000;
	s31 =	sadd.s32 s30, s19  }
0x11f: {  	[hbm4b:s31+s3] =	stream.linear.scatter [tilespmem:s20], [sflag:$0xB], $0x4000, $0x38;
	[tilespmem:$0x18200] =	vst v63  }
0x120: {  	_ =	swait.ge [sflag:s26], $0x4000  }
0x121: {  	[sflag:s26] =	ssyncset.done $0x0  }
0x122: {  	[sflag:s26] =	ssyncadd.s32 $0xFFFFC000  }
0x123: {  	v3 =	vld [tilespmem:s29+$0xFFFFFFF0];
	_ =	sdelay $0x4  }
0x124: {  	v62 =	vshll.u32 v3, $0x3  }
0x125: {  	v3 =	vand.u32 $0x7, v3;
	v4 =	vand.u32 $0xFFFFFFC0, v62  }
0x126: {  	v3 =	vor.u32 v3, v4  }
0x127: {  	v4 =	vperm.xlane v3, v0;
	_ =	sdelay $0x1  }
0x128: {  	v4 =	vadd.s32 v1, v4;
	_ =	sdelay $0x4  }
0x129: {  	[tilespmem:s20], [sflag:$0x5] =	stream.indirect_vreg.gather [hbm4b:s2+s3], $0x80, v4, vm0, $0xb8;
	[tilespmem:$0x18200] =	vst v63  }
0x12a: {  	s31 =	simm.s32 $0x10A00;
	v3 =	vperm.xlane v3, v2  }
0x12b: {  	[tilespmem:s31], [sflag:$0x5] =	stream.indirect_vreg.gather [hbm4b:s5+s3], $0x80, v4, vm0, $0xb8;
	[tilespmem:$0x18200] =	vst v63  }
0x12c: {  	v3 =	vadd.s32 v1, v3;
	s20 =	simm.s32 $0x11200  }
0x12d: {  	[tilespmem:s20], [sflag:$0x5] =	stream.indirect_vreg.gather [hbm4b:s6+s3], $0x80, v4, vm0, $0xb8;
	[tilespmem:$0x18200] =	vst v63  }
0x12e: {  	s31 =	simm.s32 $0x11A00  }
0x12f: {  	[tilespmem:s31], [sflag:$0x5] =	stream.indirect_vreg.gather [hbm4b:s7+s3], $0x80, v4, vm0, $0xb8;
	[tilespmem:$0x18200] =	vst v63  }
0x130: {  	s20 =	simm.s32 $0x12200  }
0x131: {  	[tilespmem:s20], [sflag:$0x5] =	stream.indirect_vreg.gather [hbm4b:s2+s3], $0x80, v3, vm0, $0xb8;
	[tilespmem:$0x18200] =	vst v63  }
0x132: {  	s31 =	simm.s32 $0x12A00  }
0x133: {  	[tilespmem:s31], [sflag:$0x5] =	stream.indirect_vreg.gather [hbm4b:s5+s3], $0x80, v3, vm0, $0xb8;
	[tilespmem:$0x18200] =	vst v63  }
0x134: {  	s20 =	simm.s32 $0x13200  }
0x135: {  	[tilespmem:s20], [sflag:$0x5] =	stream.indirect_vreg.gather [hbm4b:s6+s3], $0x80, v3, vm0, $0xb8;
	[tilespmem:$0x18200] =	vst v63  }
0x136: {  	s31 =	simm.s32 $0x13A00  }
0x137: {  	[tilespmem:s31], [sflag:$0x5] =	stream.indirect_vreg.gather [hbm4b:s7+s3], $0x80, v3, vm0, $0xb8;
	[tilespmem:$0x18200] =	vst v63  }
0x138: {  	_ =	swait.ge [sflag:s14], $0x4000  }
0x139: {  	s20 =	rddreg [dreg:$0x8];
	[sflag:s14] =	ssyncset.done $0x0  }
0x13a: {  	[sflag:s14] =	ssyncadd.s32 $0xFFFFC000;
	s31 =	sadd.s32 s30, s20;
	s20 =	simm.s32 $0x14200  }
0x13b: {  	[hbm4b:s31+s3] =	stream.linear.scatter [tilespmem:s20], [sflag:$0xC], $0x4000, $0x38;
	[tilespmem:$0x18200] =	vst v63  }
0x13c: {  	_ =	swait.ge [sflag:s15], $0x4000  }
0x13d: {  	[sflag:s15] =	ssyncset.done $0x0  }
0x13e: {  	[sflag:s15] =	ssyncadd.s32 $0xFFFFC000  }
0x13f: {  	v3 =	vld [tilespmem:s29+$0x0];
	_ =	sdelay $0x4  }
0x140: {  	v63 =	vshll.u32 v3, $0x3  }
0x141: {  	v3 =	vand.u32 $0x7, v3;
	v4 =	vand.u32 $0xFFFFFFC0, v63  }
0x142: {  	v3 =	vor.u32 v3, v4  }
0x143: {  	v4 =	vperm.xlane v3, v0;
	_ =	sdelay $0x1  }
0x144: {  	v4 =	vadd.s32 v1, v4;
	_ =	sdelay $0x4  }
0x145: {  	[tilespmem:s20], [sflag:$0x6] =	stream.indirect_vreg.gather [hbm4b:s2+s3], $0x80, v4, vm0, $0xb8;
	[tilespmem:$0x18200] =	vst v63  }
0x146: {  	s31 =	simm.s32 $0x14A00;
	v3 =	vperm.xlane v3, v2  }
0x147: {  	[tilespmem:s31], [sflag:$0x6] =	stream.indirect_vreg.gather [hbm4b:s5+s3], $0x80, v4, vm0, $0xb8;
	[tilespmem:$0x18200] =	vst v63  }
0x148: {  	v3 =	vadd.s32 v1, v3;
	s31 =	simm.s32 $0x15200  }
0x149: {  	[tilespmem:s31], [sflag:$0x6] =	stream.indirect_vreg.gather [hbm4b:s6+s3], $0x80, v4, vm0, $0xb8;
	[tilespmem:$0x18200] =	vst v63  }
0x14a: {  	s31 =	simm.s32 $0x15A00  }
0x14b: {  	[tilespmem:s31], [sflag:$0x6] =	stream.indirect_vreg.gather [hbm4b:s7+s3], $0x80, v4, vm0, $0xb8;
	[tilespmem:$0x18200] =	vst v63  }
0x14c: {  	s31 =	simm.s32 $0x16200  }
0x14d: {  	[tilespmem:s31], [sflag:$0x6] =	stream.indirect_vreg.gather [hbm4b:s2+s3], $0x80, v3, vm0, $0xb8;
	[tilespmem:$0x18200] =	vst v63  }
0x14e: {  	s31 =	simm.s32 $0x16A00  }
0x14f: {  	[tilespmem:s31], [sflag:$0x6] =	stream.indirect_vreg.gather [hbm4b:s5+s3], $0x80, v3, vm0, $0xb8;
	[tilespmem:$0x18200] =	vst v63  }
0x150: {  	s31 =	simm.s32 $0x17200  }
0x151: {  	[tilespmem:s31], [sflag:$0x6] =	stream.indirect_vreg.gather [hbm4b:s6+s3], $0x80, v3, vm0, $0xb8;
	[tilespmem:$0x18200] =	vst v63  }
0x152: {  	p0 =	sne.s32 s30, $0x9000;
	s31 =	simm.s32 $0x17A00  }
0x153: {  	[tilespmem:s31], [sflag:$0x6] =	stream.indirect_vreg.gather [hbm4b:s7+s3], $0x80, v3, vm0, $0xb8;
	[tilespmem:$0x18200] =	vst v63  }
.Ltmp0:
0x154: {  	s18 =	simm.s32 $0x8200;
	s28 =	simm.s32 $0xC200;
	(pc) =	sbr.rel @p0 .LBB2_2-.Ltmp0, $4  }
0x155: {  	s0 =	simm.s32 $0x14200;
	s19 =	simm.s32 $0x10200;
	_ =	swait.ge [sflag:s17], $0x4000  }
0x156: {  	s29 =	sadd.s32 $0x60, s29;
	s20 =	rddreg [dreg:$0x4];
	[sflag:s17] =	ssyncset.done $0x0  }
0x157: {  	[sflag:s17] =	ssyncadd.s32 $0xFFFFC000;
	s31 =	sadd.s32 s30, s20;
	s30 =	sadd.s32 $0x3000, s30  }
0x158: {  	[hbm4b:s31+s3] =	stream.linear.scatter [tilespmem:s8], [sflag:$0x7], $0x4000, $0x38;
	[tilespmem:$0x18200] =	vst v63  }
0x159: {  	_ =	swait.ge [sflag:s22], $0x4000  }
0x15a: {  	[sflag:s22] =	ssyncset.done $0x0  }
0x15b: {  	[sflag:s22] =	ssyncadd.s32 $0xFFFFC000  }
0x15c: {  	v3 =	vld [tilespmem:$0x1E0];
	_ =	sdelay $0x4  }
0x15d: {  	v4 =	vshll.u32 v3, $0x3  }
0x15e: {  	v3 =	vand.u32 $0x7, v3;
	v4 =	vand.u32 $0xFFFFFFC0, v4  }
0x15f: {  	v3 =	vor.u32 v3, v4  }
0x160: {  	v4 =	vperm.xlane v3, v0;
	_ =	sdelay $0x1  }
0x161: {  	v4 =	vadd.s32 v1, v4;
	_ =	sdelay $0x3  }
0x162: {  	s8 =	simm.s32 $0x200  }
0x163: {  	[tilespmem:s8], [sflag:$0x1] =	stream.indirect_vreg.gather [hbm4b:s2+s3], $0x80, v4, vm0, $0xb8;
	[tilespmem:$0x18200] =	vst v63  }
0x164: {  	s29 =	simm.s32 $0xA00;
	v3 =	vperm.xlane v3, v2  }
0x165: {  	[tilespmem:s29], [sflag:$0x1] =	stream.indirect_vreg.gather [hbm4b:s5+s3], $0x80, v4, vm0, $0xb8;
	[tilespmem:$0x18200] =	vst v63  }
0x166: {  	s9 =	simm.s32 $0x1200;
	v3 =	vadd.s32 v1, v3  }
0x167: {  	[tilespmem:s9], [sflag:$0x1] =	stream.indirect_vreg.gather [hbm4b:s6+s3], $0x80, v4, vm0, $0xb8;
	[tilespmem:$0x18200] =	vst v63  }
0x168: {  	s20 =	simm.s32 $0x1A00  }
0x169: {  	[tilespmem:s20], [sflag:$0x1] =	stream.indirect_vreg.gather [hbm4b:s7+s3], $0x80, v4, vm0, $0xb8;
	[tilespmem:$0x18200] =	vst v63  }
0x16a: {  	s21 =	simm.s32 $0x2200  }
0x16b: {  	[tilespmem:s21], [sflag:$0x1] =	stream.indirect_vreg.gather [hbm4b:s2+s3], $0x80, v3, vm0, $0xb8;
	[tilespmem:$0x18200] =	vst v63  }
0x16c: {  	s24 =	simm.s32 $0x2A00  }
0x16d: {  	[tilespmem:s24], [sflag:$0x1] =	stream.indirect_vreg.gather [hbm4b:s5+s3], $0x80, v3, vm0, $0xb8;
	[tilespmem:$0x18200] =	vst v63  }
0x16e: {  	s31 =	simm.s32 $0x3200  }
0x16f: {  	[tilespmem:s31], [sflag:$0x1] =	stream.indirect_vreg.gather [hbm4b:s6+s3], $0x80, v3, vm0, $0xb8;
	[tilespmem:$0x18200] =	vst v63  }
0x170: {  	s1 =	simm.s32 $0x3A00  }
0x171: {  	[tilespmem:s1], [sflag:$0x1] =	stream.indirect_vreg.gather [hbm4b:s7+s3], $0x80, v3, vm0, $0xb8;
	[tilespmem:$0x18200] =	vst v63  }
0x172: {  	_ =	swait.ge [sflag:s4], $0x4000  }
0x173: {  	[sflag:s4] =	ssyncset.done $0x0  }
0x174: {  	s1 =	simm.s32 $0x4200;
	s9 =	rddreg [dreg:$0xc];
	[sflag:s4] =	ssyncadd.s32 $0xFFFFC000  }
0x175: {  	[hbm4b:s9+s3] =	stream.linear.scatter [tilespmem:s1], [sflag:$0x8], $0x4000, $0x38;
	[tilespmem:$0x18200] =	vst v63  }
0x176: {  	_ =	swait.ge [sflag:s10], $0x4000  }
0x177: {  	[sflag:s10] =	ssyncset.done $0x0  }
0x178: {  	[sflag:s10] =	ssyncadd.s32 $0xFFFFC000  }
0x179: {  	v3 =	vld [tilespmem:$0x1F0];
	_ =	sdelay $0x4  }
0x17a: {  	v63 =	vshll.u32 v3, $0x3  }
0x17b: {  	v3 =	vand.u32 $0x7, v3;
	v4 =	vand.u32 $0xFFFFFFC0, v63  }
0x17c: {  	v3 =	vor.u32 v3, v4  }
0x17d: {  	v4 =	vperm.xlane v3, v0;
	_ =	sdelay $0x1  }
0x17e: {  	v4 =	vadd.s32 v1, v4;
	_ =	sdelay $0x4  }
0x17f: {  	[tilespmem:s1], [sflag:$0x2] =	stream.indirect_vreg.gather [hbm4b:s2+s3], $0x80, v4, vm0, $0xb8;
	[tilespmem:$0x18200] =	vst v63  }
0x180: {  	s20 =	simm.s32 $0x4A00;
	v3 =	vperm.xlane v3, v2  }
0x181: {  	[tilespmem:s20], [sflag:$0x2] =	stream.indirect_vreg.gather [hbm4b:s5+s3], $0x80, v4, vm0, $0xb8;
	[tilespmem:$0x18200] =	vst v63  }
0x182: {  	s21 =	simm.s32 $0x5200;
	v3 =	vadd.s32 v1, v3  }
0x183: {  	[tilespmem:s21], [sflag:$0x2] =	stream.indirect_vreg.gather [hbm4b:s6+s3], $0x80, v4, vm0, $0xb8;
	[tilespmem:$0x18200] =	vst v63  }
0x184: {  	s24 =	simm.s32 $0x5A00  }
0x185: {  	[tilespmem:s24], [sflag:$0x2] =	stream.indirect_vreg.gather [hbm4b:s7+s3], $0x80, v4, vm0, $0xb8;
	[tilespmem:$0x18200] =	vst v63  }
0x186: {  	s31 =	simm.s32 $0x6200  }
0x187: {  	[tilespmem:s31], [sflag:$0x2] =	stream.indirect_vreg.gather [hbm4b:s2+s3], $0x80, v3, vm0, $0xb8;
	[tilespmem:$0x18200] =	vst v63  }
0x188: {  	s9 =	simm.s32 $0x6A00  }
0x189: {  	[tilespmem:s9], [sflag:$0x2] =	stream.indirect_vreg.gather [hbm4b:s5+s3], $0x80, v3, vm0, $0xb8;
	[tilespmem:$0x18200] =	vst v63  }
0x18a: {  	s20 =	simm.s32 $0x7200  }
0x18b: {  	[tilespmem:s20], [sflag:$0x2] =	stream.indirect_vreg.gather [hbm4b:s6+s3], $0x80, v3, vm0, $0xb8;
	[tilespmem:$0x18200] =	vst v63  }
0x18c: {  	s21 =	simm.s32 $0x7A00  }
0x18d: {  	[tilespmem:s21], [sflag:$0x2] =	stream.indirect_vreg.gather [hbm4b:s7+s3], $0x80, v3, vm0, $0xb8;
	[tilespmem:$0x18200] =	vst v63  }
0x18e: {  	_ =	swait.ge [sflag:s23], $0x4000  }
0x18f: {  	[sflag:s23] =	ssyncset.done $0x0  }
0x190: {  	s24 =	rddreg [dreg:$0xd];
	[sflag:s23] =	ssyncadd.s32 $0xFFFFC000  }
0x191: {  	[hbm4b:s24+s3] =	stream.linear.scatter [tilespmem:s18], [sflag:$0x9], $0x4000, $0x38;
	[tilespmem:$0x18200] =	vst v63  }
0x192: {  	_ =	swait.ge [sflag:s12], $0x4000  }
0x193: {  	[sflag:s12] =	ssyncset.done $0x0  }
0x194: {  	s31 =	rddreg [dreg:$0xe];
	[sflag:s12] =	ssyncadd.s32 $0xFFFFC000  }
0x195: {  	[hbm4b:s31+s3] =	stream.linear.scatter [tilespmem:s28], [sflag:$0xA], $0x4000, $0x38;
	[tilespmem:$0x18200] =	vst v63  }
0x196: {  	_ =	swait.ge [sflag:s13], $0x4000  }
0x197: {  	[sflag:s13] =	ssyncset.done $0x0  }
0x198: {  	s9 =	rddreg [dreg:$0xf];
	[sflag:s13] =	ssyncadd.s32 $0xFFFFC000  }
0x199: {  	[hbm4b:s9+s3] =	stream.linear.scatter [tilespmem:s19], [sflag:$0xB], $0x4000, $0x38;
	[tilespmem:$0x18200] =	vst v63  }
0x19a: {  	_ =	swait.ge [sflag:s14], $0x4000  }
0x19b: {  	[sflag:s14] =	ssyncset.done $0x0  }
0x19c: {  	s20 =	rddreg [dreg:$0x10];
	[sflag:s14] =	ssyncadd.s32 $0xFFFFC000  }
0x19d: {  	[hbm4b:s20+s3] =	stream.linear.scatter [tilespmem:s0], [sflag:$0xC], $0x4000, $0x38;
	[tilespmem:$0x18200] =	vst v63  }
0x19e: {  	_ =	swait.ge [sflag:s17], $0x4000  }
0x19f: {  	[sflag:s17] =	ssyncset.done $0x0  }
0x1a0: {  	s21 =	rddreg [dreg:$0x11];
	[sflag:s17] =	ssyncadd.s32 $0xFFFFC000  }
0x1a1: {  	[hbm4b:s21+s3] =	stream.linear.scatter [tilespmem:s8], [sflag:$0x7], $0x4000, $0x38;
	[tilespmem:$0x18200] =	vst v63  }
0x1a2: {  	_ =	swait.ge [sflag:s4], $0x4000  }
0x1a3: {  	[sflag:s4] =	ssyncset.done $0x0  }
0x1a4: {  	s24 =	rddreg [dreg:$0x12];
	[sflag:s4] =	ssyncadd.s32 $0xFFFFC000  }
0x1a5: {  	[hbm4b:s24+s3] =	stream.linear.scatter [tilespmem:s1], [sflag:$0x8], $0x4000, $0x38;
	[tilespmem:$0x18200] =	vst v63  }
0x1a6: {  	_ =	swait.ge [sflag:s11], $0x4000  }
0x1a7: {  	[sflag:s11] =	ssyncset.done $0x0  }
0x1a8: {  	[sflag:s11] =	ssyncadd.s32 $0xFFFFC000  }
0x1a9: {  	_ =	swait.ge [sflag:s25], $0x4000  }
0x1aa: {  	[sflag:s25] =	ssyncset.done $0x0  }
0x1ab: {  	[sflag:s25] =	ssyncadd.s32 $0xFFFFC000  }
0x1ac: {  	_ =	swait.ge [sflag:s26], $0x4000  }
0x1ad: {  	[sflag:s26] =	ssyncset.done $0x0  }
0x1ae: {  	[sflag:s26] =	ssyncadd.s32 $0xFFFFC000  }
0x1af: {  	_ =	swait.ge [sflag:s15], $0x4000  }
0x1b0: {  	[sflag:s15] =	ssyncset.done $0x0  }
0x1b1: {  	[sflag:s15] =	ssyncadd.s32 $0xFFFFC000  }
0x1b2: {  	_ =	swait.ge [sflag:s22], $0x4000  }
0x1b3: {  	[sflag:s22] =	ssyncset.done $0x0  }
0x1b4: {  	[sflag:s22] =	ssyncadd.s32 $0xFFFFC000  }
0x1b5: {  	_ =	swait.ge [sflag:s10], $0x4000  }
0x1b6: {  	s30 =	rddreg [dreg:$0x14]  }
0x1b7: {  	s31 =	rddreg [dreg:$0x13];
	s30 =	sadd.s32 $0x1, s30  }
0x1b8: {  	p0 =	sne.s32 s30, s31  }
.Ltmp1:
0x1b9: {  	_ = 	snop;
	(pc) =	sbr.rel @p0 .LBB2_1-.Ltmp1, $4  }
0x1ba: {  	_ = 	snop  }
0x1bb: {  	s9 =	simm.s32 $0xB200;
	s20 =	simm.s32 $0x9A00  }
0x1bc: {  	s8 =	simm.s32 $0x8A00;
	s21 =	simm.s32 $0xAA00;
	[sflag:s10] =	ssyncset.done $0x0  }
0x1bd: {  	s1 =	simm.s32 $0xA200;
	s24 =	simm.s32 $0xBA00;
	[sflag:s10] =	ssyncadd.s32 $0xFFFFC000  }
0x1be: {  	_ =	sfence.sel $0x180000  }
0x1bf: {  	[bflag:$0x0] =	sbarrier.arrive $0xFFFF  }
0x1c0: {  	_ =	strace $0x90000047  }
0x1c1: {  	s0 =	stileid.u32;
	[bflag:$0x2] =	sbarrier.arrive $0xFFFF  }
0x1c2: {  	p0 =	sne.s32 s0, $0x0;
	s0 =	rddreg [dreg:$0x3]  }
0x1c3: {  	s0 =	sadd.s32 @!p0 $0x100000, s0  }
0x1c4: {  	[sflag:s0] =	ssyncadd.tile.s32 @!p0 $0x1;
	_ =	shalt  }
.Lfunc_end2:
_tile_overlayer_lowered:
.L_overlay_start_2:
0x1c5: {  	(tag) =	ssettag $0x2  }
0x1c6: {  	s0 =	rddreg [dreg:$0x0];
	s2 =	stileid.u32  }
0x1c7: {  	s1 =	rddreg [dreg:$0x1];
	p0 =	sne.s32 s2, $0x0  }
0x1c8: {  	s3 =	rddreg [dreg:$0x2];
	[bflag:$0x3] =	sbarrier.arrive $0xFFFF;
	s2 =	simm.s32 @!p0 $0x1C0D  }
0x1c9: {  	[timem:s3], [sflag:s2] =	dma.local @!p0 [hbm:s0], s1  }
0x1ca: {  	s0 =	simm.s32 @!p0 $0xD  }
0x1cb: {  	_ =	swait.ge @!p0 [sflag:s0], s1  }
0x1cc: {  	s1 =	ssub.s32 @!p0 $0x0, s1;
	[sflag:s0] =	ssyncset.done @!p0 $0x0  }
0x1cd: {  	[sflag:s0] =	ssyncadd.s32 @!p0 s1  }
0x1ce: {  	[bflag:$0x3] =	sbarrier.arrive $0xFFFF  }
0x1cf: {  	_ =	shalt  }

</sc_bundles>
